<compile_context>
chip_gen: v7x
topology: tpu7x:2x2x1
jax: 0.10.2.dev20260603
libtpu: 0.0.44.dev20260713+nightly
codegen_flags: <defaults>
</compile_context>

<pallas_src>
import functools

import jax
import jax.numpy as jnp
from jax import lax
from jax.experimental import pallas as pl
from jax.experimental.pallas import tpu as pltpu
from jax.experimental.pallas import tpu_sc as plsc

_F = 8
_G = 17
_B, _T = 64, 2048
_N = _B * _T * _F
_NC, _NS, _L = 2, 16, 16
_NW = _NC * _NS
_CHUNK = _N // _NW
_TAB_PAD = 160
_NSUB = 4
_SUB = _CHUNK // _NSUB

_mesh = plsc.VectorSubcoreMesh(core_axis_name="c", subcore_axis_name="s")


@functools.partial(
    pl.kernel,
    mesh=_mesh,
    out_type=jax.ShapeDtypeStruct((_N,), jnp.float32),
    compiler_params=pltpu.CompilerParams(needs_layout_passes=False),
    scratch_types=[
        pltpu.VMEM((_L,), jnp.float32),
        pltpu.VMEM((_TAB_PAD,), jnp.float32),
        pltpu.VMEM((_CHUNK,), jnp.float32),
        pltpu.VMEM((_CHUNK,), jnp.float32),
        pltpu.VMEM((2 * _L,), jnp.float32),
        pltpu.VMEM((_TAB_PAD,), jnp.float32),
        pltpu.VMEM((_TAB_PAD,), jnp.float32),
        pltpu.SemaphoreType.DMA,
        [pltpu.SemaphoreType.DMA] * _NSUB,
        [pltpu.SemaphoreType.DMA] * _NSUB,
    ],
)
def _interp_sc(
    x_hbm, std_hbm, tab_hbm, out_hbm,
    std_v, tab_v, xv, ov, sb_v, a_v, c_v, c_sem, in_sems, out_sems,
):
    wid = lax.axis_index("s") * _NC + lax.axis_index("c")
    base = wid * _CHUNK

    cp_std = pltpu.async_copy(std_hbm, std_v, c_sem)
    cp_tab = pltpu.async_copy(tab_hbm, tab_v, c_sem)
    in_cps = [
        pltpu.async_copy(
            x_hbm.at[pl.ds(base + k * _SUB, _SUB)],
            xv.at[pl.ds(k * _SUB, _SUB)],
            in_sems[k],
        )
        for k in range(_NSUB)
    ]
    cp_std.wait()
    cp_tab.wait()

    lane = jnp.arange(_L, dtype=jnp.int32)
    feat = lane % _F
    row0 = plsc.load_gather(std_v, [feat])
    row1 = plsc.load_gather(std_v, [feat + _F])
    x_min = jnp.minimum(row0, row1)
    x_max = jnp.maximum(row0, row1)
    scale = (_G - 1.0) / (x_max - x_min)
    shift = -x_min * scale
    off = feat * _G

    sb_v[pl.ds(0, _L)] = scale
    sb_v[pl.ds(_L, _L)] = shift
    for j in range(_TAB_PAD // _L):
        jv = lane + j * _L
        f = jv // _G
        cell = jv - f * _G
        y_lo = tab_v[pl.ds(j * _L, _L)]
        y_hi = plsc.load_gather(tab_v, [jnp.minimum(jv + 1, _TAB_PAD - 1)])
        dy = y_hi - y_lo
        sf = plsc.load_gather(sb_v, [jnp.minimum(f, _F - 1)])
        bf = plsc.load_gather(sb_v, [jnp.minimum(f, _F - 1) + _L])
        a_v[pl.ds(j * _L, _L)] = sf * dy
        c_v[pl.ds(j * _L, _L)] = y_lo + (bf - cell.astype(jnp.float32)) * dy

    out_cps = []
    for k in range(_NSUB):
        in_cps[k].wait()

        @plsc.parallel_loop(k * _SUB, (k + 1) * _SUB, step=_L, unroll=8)
        def body(i):
            x = xv[pl.ds(i, _L)]
            t = x * scale + shift
            ti = t.astype(jnp.int32)
            idx = jnp.minimum(jnp.maximum(ti, 0), _G - 2)
            fl = idx + off
            a = plsc.load_gather(a_v, [fl])
            c = plsc.load_gather(c_v, [fl])
            ov[pl.ds(i, _L)] = x * a + c

        out_cps.append(
            pltpu.async_copy(
                ov.at[pl.ds(k * _SUB, _SUB)],
                out_hbm.at[pl.ds(base + k * _SUB, _SUB)],
                out_sems[k],
            )
        )
    for cp in out_cps:
        cp.wait()


def kernel(inputs, sorted_tr_data, kin_equal_spaced_targets):
    x_flat = inputs.reshape(_N)
    std_flat = sorted_tr_data.reshape(2 * _F)
    tab_flat = jnp.pad(
        kin_equal_spaced_targets.reshape(_F * _G), (0, _TAB_PAD - _F * _G)
    )
    out_flat = _interp_sc(x_flat, std_flat, tab_flat)
    return out_flat.reshape(_B, _T, _F)

# --- scband reference (transcript-rebuilt; emitter-appended) ---
"""Pipeline reference for scband-feature-scaling-47390669144367 (READ-ONLY COPY).

The authoritative reference and input builder live on the scoring server;
editing this copy changes nothing except your own understanding.
"""

import jax, jax.numpy as jnp
import numpy as np

F = 8
G = 17
B, T = 64, 2048

def setup_inputs(seed: int = 0) -> dict:
    key = jax.random.key(seed)
    k1, k2 = jax.random.split(key)
    inputs = jax.random.normal(k1, (B, T, F), dtype=jnp.float32)
    # sorted training data: only per-feature min/max are used by the layer
    sorted_tr_data = jnp.stack([jnp.zeros((F,), jnp.float32), jnp.ones((F,), jnp.float32)], axis=0)
    # equal-spaced interpolation targets per feature, shape [F, G]
    kin_equal_spaced_targets = jnp.tile(jnp.linspace(0.0, 1.0, G, dtype=jnp.float32)[None, :], (F, 1))
    return {"inputs": inputs, "sorted_tr_data": sorted_tr_data, "kin_equal_spaced_targets": kin_equal_spaced_targets}

def reference(inputs, sorted_tr_data, kin_equal_spaced_targets):
    # Faithful translation of tfp.math.interp_regular_1d_grid with fill_value='extrapolate',
    # applied independently per feature (axis=2 of inputs).
    x_min = sorted_tr_data.min(axis=0)  # [F]
    x_max = sorted_tr_data.max(axis=0)  # [F]
    Gn = kin_equal_spaced_targets.shape[1]
    # fractional grid coordinate; NOT clipped so out-of-range values extrapolate linearly
    t = (inputs - x_min[None, None, :]) / (x_max - x_min)[None, None, :] * (Gn - 1)  # [B,T,F]
    idx = jnp.clip(jnp.floor(t), 0, Gn - 2).astype(jnp.int32)  # [B,T,F]
    f_idx = jnp.arange(kin_equal_spaced_targets.shape[0])  # [F]
    y_lo = kin_equal_spaced_targets[f_idx[None, None, :], idx]      # gather [B,T,F]
    y_hi = kin_equal_spaced_targets[f_idx[None, None, :], idx + 1]  # gather [B,T,F]
    frac = t - idx.astype(jnp.float32)
    out = y_lo + frac * (y_hi - y_lo)
    return out

if __name__ == "__main__":
    import jax
    _d = setup_inputs()
    print(jax.jit(kernel)(*tuple(_d.values())))

</pallas_src>

<mosaic_0001>
#map = affine_map<(d0, d1) -> (0)>
module attributes {stable_mosaic.version = 14 : i64} {
  func.func @_interp_sc(%arg0: i32, %arg1: i32, %arg2: memref<1048576xf32, #tpu.memory_space<hbm>>, %arg3: memref<16xf32, #tpu.memory_space<hbm>>, %arg4: memref<160xf32, #tpu.memory_space<hbm>>, %arg5: memref<1048576xf32, #tpu.memory_space<hbm>>, %arg6: memref<16xf32, #tpu.memory_space<vmem>>, %arg7: memref<160xf32, #tpu.memory_space<vmem>>, %arg8: memref<32768xf32, #tpu.memory_space<vmem>>, %arg9: memref<32768xf32, #tpu.memory_space<vmem>>, %arg10: memref<32xf32, #tpu.memory_space<vmem>>, %arg11: memref<160xf32, #tpu.memory_space<vmem>>, %arg12: memref<160xf32, #tpu.memory_space<vmem>>, %arg13: memref<!tpu.dma_semaphore, #tpu.memory_space<semaphore_mem>>, %arg14: memref<!tpu.dma_semaphore, #tpu.memory_space<semaphore_mem>>, %arg15: memref<!tpu.dma_semaphore, #tpu.memory_space<semaphore_mem>>, %arg16: memref<!tpu.dma_semaphore, #tpu.memory_space<semaphore_mem>>, %arg17: memref<!tpu.dma_semaphore, #tpu.memory_space<semaphore_mem>>, %arg18: memref<!tpu.dma_semaphore, #tpu.memory_space<semaphore_mem>>, %arg19: memref<!tpu.dma_semaphore, #tpu.memory_space<semaphore_mem>>, %arg20: memref<!tpu.dma_semaphore, #tpu.memory_space<semaphore_mem>>, %arg21: memref<!tpu.dma_semaphore, #tpu.memory_space<semaphore_mem>>) attributes {dimension_semantics = [#tpu.dimension_semantics<core_parallel>, #tpu.dimension_semantics<subcore_parallel>], iteration_bounds = array<i64: 2, 16>, scalar_prefetch = 0 : i64, scratch_operands = 16 : i64, tpu.core_type = #tpu.core_type<sc_vector_subcore>, window_params = [{transform_indices = #map}, {transform_indices = #map}, {transform_indices = #map}, {transform_indices = #map}]} {
    %mul3A = arith.constant 2 : i32
    %mul3A_0 = arith.muli %arg1, %mul3A : i32
    %add3A = arith.addi %mul3A_0, %arg0 : i32
    %mul3A_1 = arith.constant 32768 : i32
    %mul3A_2 = arith.muli %add3A, %mul3A_1 : i32
    tpu.enqueue_dma source(%arg3 : memref<16xf32, #tpu.memory_space<hbm>>) target(%arg6 : memref<16xf32, #tpu.memory_space<vmem>>) target_semaphore(%arg13 : memref<!tpu.dma_semaphore, #tpu.memory_space<semaphore_mem>>)
    tpu.enqueue_dma source(%arg4 : memref<160xf32, #tpu.memory_space<hbm>>) target(%arg7 : memref<160xf32, #tpu.memory_space<vmem>>) target_semaphore(%arg13 : memref<!tpu.dma_semaphore, #tpu.memory_space<semaphore_mem>>)
    %add3A_3 = arith.constant 0 : i32
    %add3A_4 = arith.addi %mul3A_2, %add3A_3 : i32
    %dma_start3A = arith.constant 0 : i32
    %dma_start3A_5 = tpu.memref_slice %arg8[%dma_start3A] : memref<32768xf32, #tpu.memory_space<vmem>> -> memref<8192xf32, #tpu.memory_space<vmem>>
    %dma_start3A_6 = tpu.memref_slice %arg2[%add3A_4] : memref<1048576xf32, #tpu.memory_space<hbm>> -> memref<8192xf32, #tpu.memory_space<hbm>>
    %dma_start3A_7 = arith.constant 0 : i32
    %dma_start3A_8 = tpu.memref_slice %arg8[%dma_start3A_7] : memref<32768xf32, #tpu.memory_space<vmem>> -> memref<8192xf32, #tpu.memory_space<vmem>>
    %dma_start3A_9 = tpu.memref_slice %arg2[%add3A_4] : memref<1048576xf32, #tpu.memory_space<hbm>> -> memref<8192xf32, #tpu.memory_space<hbm>>
    tpu.enqueue_dma source(%dma_start3A_9 : memref<8192xf32, #tpu.memory_space<hbm>>) target(%dma_start3A_8 : memref<8192xf32, #tpu.memory_space<vmem>>) target_semaphore(%arg14 : memref<!tpu.dma_semaphore, #tpu.memory_space<semaphore_mem>>)
    %add3A_10 = arith.constant 8192 : i32
    %add3A_11 = arith.addi %mul3A_2, %add3A_10 : i32
    %dma_start3A_12 = arith.constant 8192 : i32
    %dma_start3A_13 = tpu.memref_slice %arg8[%dma_start3A_12] : memref<32768xf32, #tpu.memory_space<vmem>> -> memref<8192xf32, #tpu.memory_space<vmem>>
    %dma_start3A_14 = tpu.memref_slice %arg2[%add3A_11] : memref<1048576xf32, #tpu.memory_space<hbm>> -> memref<8192xf32, #tpu.memory_space<hbm>>
    %dma_start3A_15 = arith.constant 8192 : i32
    %dma_start3A_16 = tpu.memref_slice %arg8[%dma_start3A_15] : memref<32768xf32, #tpu.memory_space<vmem>> -> memref<8192xf32, #tpu.memory_space<vmem>>
    %dma_start3A_17 = tpu.memref_slice %arg2[%add3A_11] : memref<1048576xf32, #tpu.memory_space<hbm>> -> memref<8192xf32, #tpu.memory_space<hbm>>
    tpu.enqueue_dma source(%dma_start3A_17 : memref<8192xf32, #tpu.memory_space<hbm>>) target(%dma_start3A_16 : memref<8192xf32, #tpu.memory_space<vmem>>) target_semaphore(%arg15 : memref<!tpu.dma_semaphore, #tpu.memory_space<semaphore_mem>>)
    %add3A_18 = arith.constant 16384 : i32
    %add3A_19 = arith.addi %mul3A_2, %add3A_18 : i32
    %dma_start3A_20 = arith.constant 16384 : i32
    %dma_start3A_21 = tpu.memref_slice %arg8[%dma_start3A_20] : memref<32768xf32, #tpu.memory_space<vmem>> -> memref<8192xf32, #tpu.memory_space<vmem>>
    %dma_start3A_22 = tpu.memref_slice %arg2[%add3A_19] : memref<1048576xf32, #tpu.memory_space<hbm>> -> memref<8192xf32, #tpu.memory_space<hbm>>
    %dma_start3A_23 = arith.constant 16384 : i32
    %dma_start3A_24 = tpu.memref_slice %arg8[%dma_start3A_23] : memref<32768xf32, #tpu.memory_space<vmem>> -> memref<8192xf32, #tpu.memory_space<vmem>>
    %dma_start3A_25 = tpu.memref_slice %arg2[%add3A_19] : memref<1048576xf32, #tpu.memory_space<hbm>> -> memref<8192xf32, #tpu.memory_space<hbm>>
    tpu.enqueue_dma source(%dma_start3A_25 : memref<8192xf32, #tpu.memory_space<hbm>>) target(%dma_start3A_24 : memref<8192xf32, #tpu.memory_space<vmem>>) target_semaphore(%arg16 : memref<!tpu.dma_semaphore, #tpu.memory_space<semaphore_mem>>)
    %add3A_26 = arith.constant 24576 : i32
    %add3A_27 = arith.addi %mul3A_2, %add3A_26 : i32
    %dma_start3A_28 = arith.constant 24576 : i32
    %dma_start3A_29 = tpu.memref_slice %arg8[%dma_start3A_28] : memref<32768xf32, #tpu.memory_space<vmem>> -> memref<8192xf32, #tpu.memory_space<vmem>>
    %dma_start3A_30 = tpu.memref_slice %arg2[%add3A_27] : memref<1048576xf32, #tpu.memory_space<hbm>> -> memref<8192xf32, #tpu.memory_space<hbm>>
    %dma_start3A_31 = arith.constant 24576 : i32
    %dma_start3A_32 = tpu.memref_slice %arg8[%dma_start3A_31] : memref<32768xf32, #tpu.memory_space<vmem>> -> memref<8192xf32, #tpu.memory_space<vmem>>
    %dma_start3A_33 = tpu.memref_slice %arg2[%add3A_27] : memref<1048576xf32, #tpu.memory_space<hbm>> -> memref<8192xf32, #tpu.memory_space<hbm>>
    tpu.enqueue_dma source(%dma_start3A_33 : memref<8192xf32, #tpu.memory_space<hbm>>) target(%dma_start3A_32 : memref<8192xf32, #tpu.memory_space<vmem>>) target_semaphore(%arg17 : memref<!tpu.dma_semaphore, #tpu.memory_space<semaphore_mem>>)
    tpu.wait_dma2 semaphore(%arg13 : memref<!tpu.dma_semaphore, #tpu.memory_space<semaphore_mem>>) src(%arg3 : memref<16xf32, #tpu.memory_space<hbm>>) dst(%arg6 : memref<16xf32, #tpu.memory_space<vmem>>)
    tpu.wait_dma2 semaphore(%arg13 : memref<!tpu.dma_semaphore, #tpu.memory_space<semaphore_mem>>) src(%arg4 : memref<160xf32, #tpu.memory_space<hbm>>) dst(%arg7 : memref<160xf32, #tpu.memory_space<vmem>>)
    %iota3A = tpu.iota {dimensions = array<i32: 0>} : vector<16xi32>
    %jit3A = arith.constant 8 : i32
    %eq3A = arith.constant 0 : i32
    %eq3A_34 = arith.cmpi eq, %jit3A, %eq3A : i32
    %jit3A_35 = arith.constant 1 : i32
    %select_n3A = arith.select %eq3A_34, %jit3A_35, %jit3A : i32
    %rem3A = vector.broadcast %select_n3A : i32 to vector<16xi32>
    %rem3A_36 = arith.remsi %iota3A, %rem3A : vector<16xi32>
    %ne3A = arith.constant 0 : i32
    %ne3A_37 = vector.broadcast %ne3A : i32 to vector<16xi32>
    %ne3A_38 = arith.cmpi ne, %rem3A_36, %ne3A_37 : vector<16xi32>
    %lt3A = arith.constant 0 : i32
    %lt3A_39 = vector.broadcast %lt3A : i32 to vector<16xi32>
    %lt3A_40 = arith.cmpi slt, %rem3A_36, %lt3A_39 : vector<16xi32>
    %lt3A_41 = arith.constant 0 : i32
    %lt3A_42 = arith.cmpi slt, %select_n3A, %lt3A_41 : i32
    %ne3A_43 = vector.broadcast %lt3A_42 : i1 to vector<16xi1>
    %ne3A_44 = vector.broadcast %ne3A_43 : vector<16xi1> to vector<16xi1>
    %ne3A_45 = arith.xori %lt3A_40, %ne3A_44 : vector<16xi1>
    %and3A = arith.andi %ne3A_45, %ne3A_38 : vector<16xi1>
    %add3A_46 = vector.broadcast %select_n3A : i32 to vector<16xi32>
    %add3A_47 = arith.addi %rem3A_36, %add3A_46 : vector<16xi32>
    %select_n3A_48 = arith.select %and3A, %add3A_47, %rem3A_36 : vector<16xi1>, vector<16xi32>
    %gather3A = tpu.vector_load_idx %arg6[%select_n3A_48] : memref<16xf32, #tpu.memory_space<vmem>>[vector<16xi32>], vector<16xf32>,
    %add3A_49 = arith.constant 8 : i32
    %add3A_50 = vector.broadcast %add3A_49 : i32 to vector<16xi32>
    %add3A_51 = arith.addi %select_n3A_48, %add3A_50 : vector<16xi32>
    %gather3A_52 = tpu.vector_load_idx %arg6[%add3A_51] : memref<16xf32, #tpu.memory_space<vmem>>[vector<16xi32>], vector<16xf32>,
    %min3A = arith.minimumf %gather3A, %gather3A_52 : vector<16xf32>
    %max3A = arith.maximumf %gather3A, %gather3A_52 : vector<16xf32>
    %sub3A = arith.subf %max3A, %min3A : vector<16xf32>
    %div3A = arith.constant 1.600000e+01 : f32
    %div3A_53 = vector.broadcast %div3A : f32 to vector<16xf32>
    %div3A_54 = arith.divf %div3A_53, %sub3A : vector<16xf32>
    %neg3A = arith.constant 0.000000e+00 : f32
    %neg3A_55 = vector.broadcast %neg3A : f32 to vector<16xf32>
    %neg3A_56 = arith.subf %neg3A_55, %min3A : vector<16xf32>
    %mul3A_57 = arith.mulf %neg3A_56, %div3A_54 : vector<16xf32>
    %mul3A_58 = arith.constant 17 : i32
    %mul3A_59 = vector.broadcast %mul3A_58 : i32 to vector<16xi32>
    %mul3A_60 = arith.muli %select_n3A_48, %mul3A_59 : vector<16xi32>
    %swap3A = arith.constant 0 : index
    %swap3A_61 = tpu.vector_load %arg10[%swap3A] {strides = array<i32>} : memref<32xf32, #tpu.memory_space<vmem>>, vector<16xf32>,
    tpu.vector_store %arg10[%swap3A], %div3A_54 {strides = array<i32>} : memref<32xf32, #tpu.memory_space<vmem>>, vector<16xf32>,
    %swap3A_62 = arith.constant 16 : index
    %swap3A_63 = tpu.vector_load %arg10[%swap3A_62] {strides = array<i32>} : memref<32xf32, #tpu.memory_space<vmem>>, vector<16xf32>,
    tpu.vector_store %arg10[%swap3A_62], %mul3A_57 {strides = array<i32>} : memref<32xf32, #tpu.memory_space<vmem>>, vector<16xf32>,
    %add3A_64 = arith.constant 0 : i32
    %add3A_65 = vector.broadcast %add3A_64 : i32 to vector<16xi32>
    %add3A_66 = arith.addi %iota3A, %add3A_65 : vector<16xi32>
    %jit3A_67 = arith.constant 17 : i32
    %div3A_68 = vector.broadcast %jit3A_67 : i32 to vector<16xi32>
    %div3A_69 = arith.divsi %add3A_66, %div3A_68 : vector<16xi32>
    %sign3A = arith.constant 0 : i32
    %sign3A_70 = vector.broadcast %sign3A : i32 to vector<16xi32>
    %sign3A_71 = arith.cmpi sgt, %add3A_66, %sign3A_70 : vector<16xi32>
    %sign3A_72 = arith.extui %sign3A_71 : vector<16xi1> to vector<16xi32>
    %sign3A_73 = arith.constant 0 : i32
    %sign3A_74 = vector.broadcast %sign3A_73 : i32 to vector<16xi32>
    %sign3A_75 = arith.cmpi slt, %add3A_66, %sign3A_74 : vector<16xi32>
    %sign3A_76 = arith.extui %sign3A_75 : vector<16xi1> to vector<16xi32>
    %sign3A_77 = arith.subi %sign3A_72, %sign3A_76 : vector<16xi32>
    %sign3A_78 = arith.constant 0 : i32
    %sign3A_79 = arith.cmpi sgt, %jit3A_67, %sign3A_78 : i32
    %sign3A_80 = arith.extui %sign3A_79 : i1 to i32
    %sign3A_81 = arith.constant 0 : i32
    %sign3A_82 = arith.cmpi slt, %jit3A_67, %sign3A_81 : i32
    %sign3A_83 = arith.extui %sign3A_82 : i1 to i32
    %sign3A_84 = arith.subi %sign3A_80, %sign3A_83 : i32
    %ne3A_85 = vector.broadcast %sign3A_84 : i32 to vector<16xi32>
    %ne3A_86 = arith.cmpi ne, %sign3A_77, %ne3A_85 : vector<16xi32>
    %rem3A_87 = vector.broadcast %jit3A_67 : i32 to vector<16xi32>
    %rem3A_88 = arith.remsi %add3A_66, %rem3A_87 : vector<16xi32>
    %ne3A_89 = arith.constant 0 : i32
    %ne3A_90 = vector.broadcast %ne3A_89 : i32 to vector<16xi32>
    %ne3A_91 = arith.cmpi ne, %rem3A_88, %ne3A_90 : vector<16xi32>
    %and3A_92 = arith.andi %ne3A_86, %ne3A_91 : vector<16xi1>
    %sub3A_93 = arith.constant 1 : i32
    %sub3A_94 = vector.broadcast %sub3A_93 : i32 to vector<16xi32>
    %sub3A_95 = arith.subi %div3A_69, %sub3A_94 : vector<16xi32>
    %select_n3A_96 = arith.select %and3A_92, %sub3A_95, %div3A_69 : vector<16xi1>, vector<16xi32>
    %mul3A_97 = arith.constant 17 : i32
    %mul3A_98 = vector.broadcast %mul3A_97 : i32 to vector<16xi32>
    %mul3A_99 = arith.muli %select_n3A_96, %mul3A_98 : vector<16xi32>
    %sub3A_100 = arith.subi %add3A_66, %mul3A_99 : vector<16xi32>
    %get3A = arith.constant 0 : index
    %get3A_101 = tpu.vector_load %arg7[%get3A] {strides = array<i32>} : memref<160xf32, #tpu.memory_space<vmem>>, vector<16xf32>,
    %add3A_102 = arith.constant 1 : i32
    %add3A_103 = vector.broadcast %add3A_102 : i32 to vector<16xi32>
    %add3A_104 = arith.addi %add3A_66, %add3A_103 : vector<16xi32>
    %min3A_105 = arith.constant 159 : i32
    %min3A_106 = vector.broadcast %min3A_105 : i32 to vector<16xi32>
    %min3A_107 = arith.minsi %add3A_104, %min3A_106 : vector<16xi32>
    %gather3A_108 = tpu.vector_load_idx %arg7[%min3A_107] : memref<160xf32, #tpu.memory_space<vmem>>[vector<16xi32>], vector<16xf32>,
    %sub3A_109 = arith.subf %gather3A_108, %get3A_101 : vector<16xf32>
    %min3A_110 = arith.constant 7 : i32
    %min3A_111 = vector.broadcast %min3A_110 : i32 to vector<16xi32>
    %min3A_112 = arith.minsi %select_n3A_96, %min3A_111 : vector<16xi32>
    %gather3A_113 = tpu.vector_load_idx %arg10[%min3A_112] : memref<32xf32, #tpu.memory_space<vmem>>[vector<16xi32>], vector<16xf32>,
    %min3A_114 = arith.constant 7 : i32
    %min3A_115 = vector.broadcast %min3A_114 : i32 to vector<16xi32>
    %min3A_116 = arith.minsi %select_n3A_96, %min3A_115 : vector<16xi32>
    %add3A_117 = arith.constant 16 : i32
    %add3A_118 = vector.broadcast %add3A_117 : i32 to vector<16xi32>
    %add3A_119 = arith.addi %min3A_116, %add3A_118 : vector<16xi32>
    %gather3A_120 = tpu.vector_load_idx %arg10[%add3A_119] : memref<32xf32, #tpu.memory_space<vmem>>[vector<16xi32>], vector<16xf32>,
    %mul3A_121 = arith.mulf %gather3A_113, %sub3A_109 : vector<16xf32>
    %swap3A_122 = arith.constant 0 : index
    %swap3A_123 = tpu.vector_load %arg11[%swap3A_122] {strides = array<i32>} : memref<160xf32, #tpu.memory_space<vmem>>, vector<16xf32>,
    tpu.vector_store %arg11[%swap3A_122], %mul3A_121 {strides = array<i32>} : memref<160xf32, #tpu.memory_space<vmem>>, vector<16xf32>,
    %convert_element_type3A = arith.sitofp %sub3A_100 : vector<16xi32> to vector<16xf32>
    %sub3A_124 = arith.subf %gather3A_120, %convert_element_type3A : vector<16xf32>
    %mul3A_125 = arith.mulf %sub3A_124, %sub3A_109 : vector<16xf32>
    %add3A_126 = arith.addf %get3A_101, %mul3A_125 : vector<16xf32>
    %swap3A_127 = arith.constant 0 : index
    %swap3A_128 = tpu.vector_load %arg12[%swap3A_127] {strides = array<i32>} : memref<160xf32, #tpu.memory_space<vmem>>, vector<16xf32>,
    tpu.vector_store %arg12[%swap3A_127], %add3A_126 {strides = array<i32>} : memref<160xf32, #tpu.memory_space<vmem>>, vector<16xf32>,
    %add3A_129 = arith.constant 16 : i32
    %add3A_130 = vector.broadcast %add3A_129 : i32 to vector<16xi32>
    %add3A_131 = arith.addi %iota3A, %add3A_130 : vector<16xi32>
    %jit3A_132 = arith.constant 17 : i32
    %div3A_133 = vector.broadcast %jit3A_132 : i32 to vector<16xi32>
    %div3A_134 = arith.divsi %add3A_131, %div3A_133 : vector<16xi32>
    %sign3A_135 = arith.constant 0 : i32
    %sign3A_136 = vector.broadcast %sign3A_135 : i32 to vector<16xi32>
    %sign3A_137 = arith.cmpi sgt, %add3A_131, %sign3A_136 : vector<16xi32>
    %sign3A_138 = arith.extui %sign3A_137 : vector<16xi1> to vector<16xi32>
    %sign3A_139 = arith.constant 0 : i32
    %sign3A_140 = vector.broadcast %sign3A_139 : i32 to vector<16xi32>
    %sign3A_141 = arith.cmpi slt, %add3A_131, %sign3A_140 : vector<16xi32>
    %sign3A_142 = arith.extui %sign3A_141 : vector<16xi1> to vector<16xi32>
    %sign3A_143 = arith.subi %sign3A_138, %sign3A_142 : vector<16xi32>
    %sign3A_144 = arith.constant 0 : i32
    %sign3A_145 = arith.cmpi sgt, %jit3A_132, %sign3A_144 : i32
    %sign3A_146 = arith.extui %sign3A_145 : i1 to i32
    %sign3A_147 = arith.constant 0 : i32
    %sign3A_148 = arith.cmpi slt, %jit3A_132, %sign3A_147 : i32
    %sign3A_149 = arith.extui %sign3A_148 : i1 to i32
    %sign3A_150 = arith.subi %sign3A_146, %sign3A_149 : i32
    %ne3A_151 = vector.broadcast %sign3A_150 : i32 to vector<16xi32>
    %ne3A_152 = arith.cmpi ne, %sign3A_143, %ne3A_151 : vector<16xi32>
    %rem3A_153 = vector.broadcast %jit3A_132 : i32 to vector<16xi32>
    %rem3A_154 = arith.remsi %add3A_131, %rem3A_153 : vector<16xi32>
    %ne3A_155 = arith.constant 0 : i32
    %ne3A_156 = vector.broadcast %ne3A_155 : i32 to vector<16xi32>
    %ne3A_157 = arith.cmpi ne, %rem3A_154, %ne3A_156 : vector<16xi32>
    %and3A_158 = arith.andi %ne3A_152, %ne3A_157 : vector<16xi1>
    %sub3A_159 = arith.constant 1 : i32
    %sub3A_160 = vector.broadcast %sub3A_159 : i32 to vector<16xi32>
    %sub3A_161 = arith.subi %div3A_134, %sub3A_160 : vector<16xi32>
    %select_n3A_162 = arith.select %and3A_158, %sub3A_161, %div3A_134 : vector<16xi1>, vector<16xi32>
    %mul3A_163 = arith.constant 17 : i32
    %mul3A_164 = vector.broadcast %mul3A_163 : i32 to vector<16xi32>
    %mul3A_165 = arith.muli %select_n3A_162, %mul3A_164 : vector<16xi32>
    %sub3A_166 = arith.subi %add3A_131, %mul3A_165 : vector<16xi32>
    %get3A_167 = arith.constant 16 : index
    %get3A_168 = tpu.vector_load %arg7[%get3A_167] {strides = array<i32>} : memref<160xf32, #tpu.memory_space<vmem>>, vector<16xf32>,
    %add3A_169 = arith.constant 1 : i32
    %add3A_170 = vector.broadcast %add3A_169 : i32 to vector<16xi32>
    %add3A_171 = arith.addi %add3A_131, %add3A_170 : vector<16xi32>
    %min3A_172 = arith.constant 159 : i32
    %min3A_173 = vector.broadcast %min3A_172 : i32 to vector<16xi32>
    %min3A_174 = arith.minsi %add3A_171, %min3A_173 : vector<16xi32>
    %gather3A_175 = tpu.vector_load_idx %arg7[%min3A_174] : memref<160xf32, #tpu.memory_space<vmem>>[vector<16xi32>], vector<16xf32>,
    %sub3A_176 = arith.subf %gather3A_175, %get3A_168 : vector<16xf32>
    %min3A_177 = arith.constant 7 : i32
    %min3A_178 = vector.broadcast %min3A_177 : i32 to vector<16xi32>
    %min3A_179 = arith.minsi %select_n3A_162, %min3A_178 : vector<16xi32>
    %gather3A_180 = tpu.vector_load_idx %arg10[%min3A_179] : memref<32xf32, #tpu.memory_space<vmem>>[vector<16xi32>], vector<16xf32>,
    %min3A_181 = arith.constant 7 : i32
    %min3A_182 = vector.broadcast %min3A_181 : i32 to vector<16xi32>
    %min3A_183 = arith.minsi %select_n3A_162, %min3A_182 : vector<16xi32>
    %add3A_184 = arith.constant 16 : i32
    %add3A_185 = vector.broadcast %add3A_184 : i32 to vector<16xi32>
    %add3A_186 = arith.addi %min3A_183, %add3A_185 : vector<16xi32>
    %gather3A_187 = tpu.vector_load_idx %arg10[%add3A_186] : memref<32xf32, #tpu.memory_space<vmem>>[vector<16xi32>], vector<16xf32>,
    %mul3A_188 = arith.mulf %gather3A_180, %sub3A_176 : vector<16xf32>
    %swap3A_189 = arith.constant 16 : index
    %swap3A_190 = tpu.vector_load %arg11[%swap3A_189] {strides = array<i32>} : memref<160xf32, #tpu.memory_space<vmem>>, vector<16xf32>,
    tpu.vector_store %arg11[%swap3A_189], %mul3A_188 {strides = array<i32>} : memref<160xf32, #tpu.memory_space<vmem>>, vector<16xf32>,
    %convert_element_type3A_191 = arith.sitofp %sub3A_166 : vector<16xi32> to vector<16xf32>
    %sub3A_192 = arith.subf %gather3A_187, %convert_element_type3A_191 : vector<16xf32>
    %mul3A_193 = arith.mulf %sub3A_192, %sub3A_176 : vector<16xf32>
    %add3A_194 = arith.addf %get3A_168, %mul3A_193 : vector<16xf32>
    %swap3A_195 = arith.constant 16 : index
    %swap3A_196 = tpu.vector_load %arg12[%swap3A_195] {strides = array<i32>} : memref<160xf32, #tpu.memory_space<vmem>>, vector<16xf32>,
    tpu.vector_store %arg12[%swap3A_195], %add3A_194 {strides = array<i32>} : memref<160xf32, #tpu.memory_space<vmem>>, vector<16xf32>,
    %add3A_197 = arith.constant 32 : i32
    %add3A_198 = vector.broadcast %add3A_197 : i32 to vector<16xi32>
    %add3A_199 = arith.addi %iota3A, %add3A_198 : vector<16xi32>
    %jit3A_200 = arith.constant 17 : i32
    %div3A_201 = vector.broadcast %jit3A_200 : i32 to vector<16xi32>
    %div3A_202 = arith.divsi %add3A_199, %div3A_201 : vector<16xi32>
    %sign3A_203 = arith.constant 0 : i32
    %sign3A_204 = vector.broadcast %sign3A_203 : i32 to vector<16xi32>
    %sign3A_205 = arith.cmpi sgt, %add3A_199, %sign3A_204 : vector<16xi32>
    %sign3A_206 = arith.extui %sign3A_205 : vector<16xi1> to vector<16xi32>
    %sign3A_207 = arith.constant 0 : i32
    %sign3A_208 = vector.broadcast %sign3A_207 : i32 to vector<16xi32>
    %sign3A_209 = arith.cmpi slt, %add3A_199, %sign3A_208 : vector<16xi32>
    %sign3A_210 = arith.extui %sign3A_209 : vector<16xi1> to vector<16xi32>
    %sign3A_211 = arith.subi %sign3A_206, %sign3A_210 : vector<16xi32>
    %sign3A_212 = arith.constant 0 : i32
    %sign3A_213 = arith.cmpi sgt, %jit3A_200, %sign3A_212 : i32
    %sign3A_214 = arith.extui %sign3A_213 : i1 to i32
    %sign3A_215 = arith.constant 0 : i32
    %sign3A_216 = arith.cmpi slt, %jit3A_200, %sign3A_215 : i32
    %sign3A_217 = arith.extui %sign3A_216 : i1 to i32
    %sign3A_218 = arith.subi %sign3A_214, %sign3A_217 : i32
    %ne3A_219 = vector.broadcast %sign3A_218 : i32 to vector<16xi32>
    %ne3A_220 = arith.cmpi ne, %sign3A_211, %ne3A_219 : vector<16xi32>
    %rem3A_221 = vector.broadcast %jit3A_200 : i32 to vector<16xi32>
    %rem3A_222 = arith.remsi %add3A_199, %rem3A_221 : vector<16xi32>
    %ne3A_223 = arith.constant 0 : i32
    %ne3A_224 = vector.broadcast %ne3A_223 : i32 to vector<16xi32>
    %ne3A_225 = arith.cmpi ne, %rem3A_222, %ne3A_224 : vector<16xi32>
    %and3A_226 = arith.andi %ne3A_220, %ne3A_225 : vector<16xi1>
    %sub3A_227 = arith.constant 1 : i32
    %sub3A_228 = vector.broadcast %sub3A_227 : i32 to vector<16xi32>
    %sub3A_229 = arith.subi %div3A_202, %sub3A_228 : vector<16xi32>
    %select_n3A_230 = arith.select %and3A_226, %sub3A_229, %div3A_202 : vector<16xi1>, vector<16xi32>
    %mul3A_231 = arith.constant 17 : i32
    %mul3A_232 = vector.broadcast %mul3A_231 : i32 to vector<16xi32>
    %mul3A_233 = arith.muli %select_n3A_230, %mul3A_232 : vector<16xi32>
    %sub3A_234 = arith.subi %add3A_199, %mul3A_233 : vector<16xi32>
    %get3A_235 = arith.constant 32 : index
    %get3A_236 = tpu.vector_load %arg7[%get3A_235] {strides = array<i32>} : memref<160xf32, #tpu.memory_space<vmem>>, vector<16xf32>,
    %add3A_237 = arith.constant 1 : i32
    %add3A_238 = vector.broadcast %add3A_237 : i32 to vector<16xi32>
    %add3A_239 = arith.addi %add3A_199, %add3A_238 : vector<16xi32>
    %min3A_240 = arith.constant 159 : i32
    %min3A_241 = vector.broadcast %min3A_240 : i32 to vector<16xi32>
    %min3A_242 = arith.minsi %add3A_239, %min3A_241 : vector<16xi32>
    %gather3A_243 = tpu.vector_load_idx %arg7[%min3A_242] : memref<160xf32, #tpu.memory_space<vmem>>[vector<16xi32>], vector<16xf32>,
    %sub3A_244 = arith.subf %gather3A_243, %get3A_236 : vector<16xf32>
    %min3A_245 = arith.constant 7 : i32
    %min3A_246 = vector.broadcast %min3A_245 : i32 to vector<16xi32>
    %min3A_247 = arith.minsi %select_n3A_230, %min3A_246 : vector<16xi32>
    %gather3A_248 = tpu.vector_load_idx %arg10[%min3A_247] : memref<32xf32, #tpu.memory_space<vmem>>[vector<16xi32>], vector<16xf32>,
    %min3A_249 = arith.constant 7 : i32
    %min3A_250 = vector.broadcast %min3A_249 : i32 to vector<16xi32>
    %min3A_251 = arith.minsi %select_n3A_230, %min3A_250 : vector<16xi32>
    %add3A_252 = arith.constant 16 : i32
    %add3A_253 = vector.broadcast %add3A_252 : i32 to vector<16xi32>
    %add3A_254 = arith.addi %min3A_251, %add3A_253 : vector<16xi32>
    %gather3A_255 = tpu.vector_load_idx %arg10[%add3A_254] : memref<32xf32, #tpu.memory_space<vmem>>[vector<16xi32>], vector<16xf32>,
    %mul3A_256 = arith.mulf %gather3A_248, %sub3A_244 : vector<16xf32>
    %swap3A_257 = arith.constant 32 : index
    %swap3A_258 = tpu.vector_load %arg11[%swap3A_257] {strides = array<i32>} : memref<160xf32, #tpu.memory_space<vmem>>, vector<16xf32>,
    tpu.vector_store %arg11[%swap3A_257], %mul3A_256 {strides = array<i32>} : memref<160xf32, #tpu.memory_space<vmem>>, vector<16xf32>,
    %convert_element_type3A_259 = arith.sitofp %sub3A_234 : vector<16xi32> to vector<16xf32>
    %sub3A_260 = arith.subf %gather3A_255, %convert_element_type3A_259 : vector<16xf32>
    %mul3A_261 = arith.mulf %sub3A_260, %sub3A_244 : vector<16xf32>
    %add3A_262 = arith.addf %get3A_236, %mul3A_261 : vector<16xf32>
    %swap3A_263 = arith.constant 32 : index
    %swap3A_264 = tpu.vector_load %arg12[%swap3A_263] {strides = array<i32>} : memref<160xf32, #tpu.memory_space<vmem>>, vector<16xf32>,
    tpu.vector_store %arg12[%swap3A_263], %add3A_262 {strides = array<i32>} : memref<160xf32, #tpu.memory_space<vmem>>, vector<16xf32>,
    %add3A_265 = arith.constant 48 : i32
    %add3A_266 = vector.broadcast %add3A_265 : i32 to vector<16xi32>
    %add3A_267 = arith.addi %iota3A, %add3A_266 : vector<16xi32>
    %jit3A_268 = arith.constant 17 : i32
    %div3A_269 = vector.broadcast %jit3A_268 : i32 to vector<16xi32>
    %div3A_270 = arith.divsi %add3A_267, %div3A_269 : vector<16xi32>
    %sign3A_271 = arith.constant 0 : i32
    %sign3A_272 = vector.broadcast %sign3A_271 : i32 to vector<16xi32>
    %sign3A_273 = arith.cmpi sgt, %add3A_267, %sign3A_272 : vector<16xi32>
    %sign3A_274 = arith.extui %sign3A_273 : vector<16xi1> to vector<16xi32>
    %sign3A_275 = arith.constant 0 : i32
    %sign3A_276 = vector.broadcast %sign3A_275 : i32 to vector<16xi32>
    %sign3A_277 = arith.cmpi slt, %add3A_267, %sign3A_276 : vector<16xi32>
    %sign3A_278 = arith.extui %sign3A_277 : vector<16xi1> to vector<16xi32>
    %sign3A_279 = arith.subi %sign3A_274, %sign3A_278 : vector<16xi32>
    %sign3A_280 = arith.constant 0 : i32
    %sign3A_281 = arith.cmpi sgt, %jit3A_268, %sign3A_280 : i32
    %sign3A_282 = arith.extui %sign3A_281 : i1 to i32
    %sign3A_283 = arith.constant 0 : i32
    %sign3A_284 = arith.cmpi slt, %jit3A_268, %sign3A_283 : i32
    %sign3A_285 = arith.extui %sign3A_284 : i1 to i32
    %sign3A_286 = arith.subi %sign3A_282, %sign3A_285 : i32
    %ne3A_287 = vector.broadcast %sign3A_286 : i32 to vector<16xi32>
    %ne3A_288 = arith.cmpi ne, %sign3A_279, %ne3A_287 : vector<16xi32>
    %rem3A_289 = vector.broadcast %jit3A_268 : i32 to vector<16xi32>
    %rem3A_290 = arith.remsi %add3A_267, %rem3A_289 : vector<16xi32>
    %ne3A_291 = arith.constant 0 : i32
    %ne3A_292 = vector.broadcast %ne3A_291 : i32 to vector<16xi32>
    %ne3A_293 = arith.cmpi ne, %rem3A_290, %ne3A_292 : vector<16xi32>
    %and3A_294 = arith.andi %ne3A_288, %ne3A_293 : vector<16xi1>
    %sub3A_295 = arith.constant 1 : i32
    %sub3A_296 = vector.broadcast %sub3A_295 : i32 to vector<16xi32>
    %sub3A_297 = arith.subi %div3A_270, %sub3A_296 : vector<16xi32>
    %select_n3A_298 = arith.select %and3A_294, %sub3A_297, %div3A_270 : vector<16xi1>, vector<16xi32>
    %mul3A_299 = arith.constant 17 : i32
    %mul3A_300 = vector.broadcast %mul3A_299 : i32 to vector<16xi32>
    %mul3A_301 = arith.muli %select_n3A_298, %mul3A_300 : vector<16xi32>
    %sub3A_302 = arith.subi %add3A_267, %mul3A_301 : vector<16xi32>
    %get3A_303 = arith.constant 48 : index
    %get3A_304 = tpu.vector_load %arg7[%get3A_303] {strides = array<i32>} : memref<160xf32, #tpu.memory_space<vmem>>, vector<16xf32>,
    %add3A_305 = arith.constant 1 : i32
    %add3A_306 = vector.broadcast %add3A_305 : i32 to vector<16xi32>
    %add3A_307 = arith.addi %add3A_267, %add3A_306 : vector<16xi32>
    %min3A_308 = arith.constant 159 : i32
    %min3A_309 = vector.broadcast %min3A_308 : i32 to vector<16xi32>
    %min3A_310 = arith.minsi %add3A_307, %min3A_309 : vector<16xi32>
    %gather3A_311 = tpu.vector_load_idx %arg7[%min3A_310] : memref<160xf32, #tpu.memory_space<vmem>>[vector<16xi32>], vector<16xf32>,
    %sub3A_312 = arith.subf %gather3A_311, %get3A_304 : vector<16xf32>
    %min3A_313 = arith.constant 7 : i32
    %min3A_314 = vector.broadcast %min3A_313 : i32 to vector<16xi32>
    %min3A_315 = arith.minsi %select_n3A_298, %min3A_314 : vector<16xi32>
    %gather3A_316 = tpu.vector_load_idx %arg10[%min3A_315] : memref<32xf32, #tpu.memory_space<vmem>>[vector<16xi32>], vector<16xf32>,
    %min3A_317 = arith.constant 7 : i32
    %min3A_318 = vector.broadcast %min3A_317 : i32 to vector<16xi32>
    %min3A_319 = arith.minsi %select_n3A_298, %min3A_318 : vector<16xi32>
    %add3A_320 = arith.constant 16 : i32
    %add3A_321 = vector.broadcast %add3A_320 : i32 to vector<16xi32>
    %add3A_322 = arith.addi %min3A_319, %add3A_321 : vector<16xi32>
    %gather3A_323 = tpu.vector_load_idx %arg10[%add3A_322] : memref<32xf32, #tpu.memory_space<vmem>>[vector<16xi32>], vector<16xf32>,
    %mul3A_324 = arith.mulf %gather3A_316, %sub3A_312 : vector<16xf32>
    %swap3A_325 = arith.constant 48 : index
    %swap3A_326 = tpu.vector_load %arg11[%swap3A_325] {strides = array<i32>} : memref<160xf32, #tpu.memory_space<vmem>>, vector<16xf32>,
    tpu.vector_store %arg11[%swap3A_325], %mul3A_324 {strides = array<i32>} : memref<160xf32, #tpu.memory_space<vmem>>, vector<16xf32>,
    %convert_element_type3A_327 = arith.sitofp %sub3A_302 : vector<16xi32> to vector<16xf32>
    %sub3A_328 = arith.subf %gather3A_323, %convert_element_type3A_327 : vector<16xf32>
    %mul3A_329 = arith.mulf %sub3A_328, %sub3A_312 : vector<16xf32>
    %add3A_330 = arith.addf %get3A_304, %mul3A_329 : vector<16xf32>
    %swap3A_331 = arith.constant 48 : index
    %swap3A_332 = tpu.vector_load %arg12[%swap3A_331] {strides = array<i32>} : memref<160xf32, #tpu.memory_space<vmem>>, vector<16xf32>,
    tpu.vector_store %arg12[%swap3A_331], %add3A_330 {strides = array<i32>} : memref<160xf32, #tpu.memory_space<vmem>>, vector<16xf32>,
    %add3A_333 = arith.constant 64 : i32
    %add3A_334 = vector.broadcast %add3A_333 : i32 to vector<16xi32>
    %add3A_335 = arith.addi %iota3A, %add3A_334 : vector<16xi32>
    %jit3A_336 = arith.constant 17 : i32
    %div3A_337 = vector.broadcast %jit3A_336 : i32 to vector<16xi32>
    %div3A_338 = arith.divsi %add3A_335, %div3A_337 : vector<16xi32>
    %sign3A_339 = arith.constant 0 : i32
    %sign3A_340 = vector.broadcast %sign3A_339 : i32 to vector<16xi32>
    %sign3A_341 = arith.cmpi sgt, %add3A_335, %sign3A_340 : vector<16xi32>
    %sign3A_342 = arith.extui %sign3A_341 : vector<16xi1> to vector<16xi32>
    %sign3A_343 = arith.constant 0 : i32
    %sign3A_344 = vector.broadcast %sign3A_343 : i32 to vector<16xi32>
    %sign3A_345 = arith.cmpi slt, %add3A_335, %sign3A_344 : vector<16xi32>
    %sign3A_346 = arith.extui %sign3A_345 : vector<16xi1> to vector<16xi32>
    %sign3A_347 = arith.subi %sign3A_342, %sign3A_346 : vector<16xi32>
    %sign3A_348 = arith.constant 0 : i32
    %sign3A_349 = arith.cmpi sgt, %jit3A_336, %sign3A_348 : i32
    %sign3A_350 = arith.extui %sign3A_349 : i1 to i32
    %sign3A_351 = arith.constant 0 : i32
    %sign3A_352 = arith.cmpi slt, %jit3A_336, %sign3A_351 : i32
    %sign3A_353 = arith.extui %sign3A_352 : i1 to i32
    %sign3A_354 = arith.subi %sign3A_350, %sign3A_353 : i32
    %ne3A_355 = vector.broadcast %sign3A_354 : i32 to vector<16xi32>
    %ne3A_356 = arith.cmpi ne, %sign3A_347, %ne3A_355 : vector<16xi32>
    %rem3A_357 = vector.broadcast %jit3A_336 : i32 to vector<16xi32>
    %rem3A_358 = arith.remsi %add3A_335, %rem3A_357 : vector<16xi32>
    %ne3A_359 = arith.constant 0 : i32
    %ne3A_360 = vector.broadcast %ne3A_359 : i32 to vector<16xi32>
    %ne3A_361 = arith.cmpi ne, %rem3A_358, %ne3A_360 : vector<16xi32>
    %and3A_362 = arith.andi %ne3A_356, %ne3A_361 : vector<16xi1>
    %sub3A_363 = arith.constant 1 : i32
    %sub3A_364 = vector.broadcast %sub3A_363 : i32 to vector<16xi32>
    %sub3A_365 = arith.subi %div3A_338, %sub3A_364 : vector<16xi32>
    %select_n3A_366 = arith.select %and3A_362, %sub3A_365, %div3A_338 : vector<16xi1>, vector<16xi32>
    %mul3A_367 = arith.constant 17 : i32
    %mul3A_368 = vector.broadcast %mul3A_367 : i32 to vector<16xi32>
    %mul3A_369 = arith.muli %select_n3A_366, %mul3A_368 : vector<16xi32>
    %sub3A_370 = arith.subi %add3A_335, %mul3A_369 : vector<16xi32>
    %get3A_371 = arith.constant 64 : index
    %get3A_372 = tpu.vector_load %arg7[%get3A_371] {strides = array<i32>} : memref<160xf32, #tpu.memory_space<vmem>>, vector<16xf32>,
    %add3A_373 = arith.constant 1 : i32
    %add3A_374 = vector.broadcast %add3A_373 : i32 to vector<16xi32>
    %add3A_375 = arith.addi %add3A_335, %add3A_374 : vector<16xi32>
    %min3A_376 = arith.constant 159 : i32
    %min3A_377 = vector.broadcast %min3A_376 : i32 to vector<16xi32>
    %min3A_378 = arith.minsi %add3A_375, %min3A_377 : vector<16xi32>
    %gather3A_379 = tpu.vector_load_idx %arg7[%min3A_378] : memref<160xf32, #tpu.memory_space<vmem>>[vector<16xi32>], vector<16xf32>,
    %sub3A_380 = arith.subf %gather3A_379, %get3A_372 : vector<16xf32>
    %min3A_381 = arith.constant 7 : i32
    %min3A_382 = vector.broadcast %min3A_381 : i32 to vector<16xi32>
    %min3A_383 = arith.minsi %select_n3A_366, %min3A_382 : vector<16xi32>
    %gather3A_384 = tpu.vector_load_idx %arg10[%min3A_383] : memref<32xf32, #tpu.memory_space<vmem>>[vector<16xi32>], vector<16xf32>,
    %min3A_385 = arith.constant 7 : i32
    %min3A_386 = vector.broadcast %min3A_385 : i32 to vector<16xi32>
    %min3A_387 = arith.minsi %select_n3A_366, %min3A_386 : vector<16xi32>
    %add3A_388 = arith.constant 16 : i32
    %add3A_389 = vector.broadcast %add3A_388 : i32 to vector<16xi32>
    %add3A_390 = arith.addi %min3A_387, %add3A_389 : vector<16xi32>
    %gather3A_391 = tpu.vector_load_idx %arg10[%add3A_390] : memref<32xf32, #tpu.memory_space<vmem>>[vector<16xi32>], vector<16xf32>,
    %mul3A_392 = arith.mulf %gather3A_384, %sub3A_380 : vector<16xf32>
    %swap3A_393 = arith.constant 64 : index
    %swap3A_394 = tpu.vector_load %arg11[%swap3A_393] {strides = array<i32>} : memref<160xf32, #tpu.memory_space<vmem>>, vector<16xf32>,
    tpu.vector_store %arg11[%swap3A_393], %mul3A_392 {strides = array<i32>} : memref<160xf32, #tpu.memory_space<vmem>>, vector<16xf32>,
    %convert_element_type3A_395 = arith.sitofp %sub3A_370 : vector<16xi32> to vector<16xf32>
    %sub3A_396 = arith.subf %gather3A_391, %convert_element_type3A_395 : vector<16xf32>
    %mul3A_397 = arith.mulf %sub3A_396, %sub3A_380 : vector<16xf32>
    %add3A_398 = arith.addf %get3A_372, %mul3A_397 : vector<16xf32>
    %swap3A_399 = arith.constant 64 : index
    %swap3A_400 = tpu.vector_load %arg12[%swap3A_399] {strides = array<i32>} : memref<160xf32, #tpu.memory_space<vmem>>, vector<16xf32>,
    tpu.vector_store %arg12[%swap3A_399], %add3A_398 {strides = array<i32>} : memref<160xf32, #tpu.memory_space<vmem>>, vector<16xf32>,
    %add3A_401 = arith.constant 80 : i32
    %add3A_402 = vector.broadcast %add3A_401 : i32 to vector<16xi32>
    %add3A_403 = arith.addi %iota3A, %add3A_402 : vector<16xi32>
    %jit3A_404 = arith.constant 17 : i32
    %div3A_405 = vector.broadcast %jit3A_404 : i32 to vector<16xi32>
    %div3A_406 = arith.divsi %add3A_403, %div3A_405 : vector<16xi32>
    %sign3A_407 = arith.constant 0 : i32
    %sign3A_408 = vector.broadcast %sign3A_407 : i32 to vector<16xi32>
    %sign3A_409 = arith.cmpi sgt, %add3A_403, %sign3A_408 : vector<16xi32>
    %sign3A_410 = arith.extui %sign3A_409 : vector<16xi1> to vector<16xi32>
    %sign3A_411 = arith.constant 0 : i32
    %sign3A_412 = vector.broadcast %sign3A_411 : i32 to vector<16xi32>
    %sign3A_413 = arith.cmpi slt, %add3A_403, %sign3A_412 : vector<16xi32>
    %sign3A_414 = arith.extui %sign3A_413 : vector<16xi1> to vector<16xi32>
    %sign3A_415 = arith.subi %sign3A_410, %sign3A_414 : vector<16xi32>
    %sign3A_416 = arith.constant 0 : i32
    %sign3A_417 = arith.cmpi sgt, %jit3A_404, %sign3A_416 : i32
    %sign3A_418 = arith.extui %sign3A_417 : i1 to i32
    %sign3A_419 = arith.constant 0 : i32
    %sign3A_420 = arith.cmpi slt, %jit3A_404, %sign3A_419 : i32
    %sign3A_421 = arith.extui %sign3A_420 : i1 to i32
    %sign3A_422 = arith.subi %sign3A_418, %sign3A_421 : i32
    %ne3A_423 = vector.broadcast %sign3A_422 : i32 to vector<16xi32>
    %ne3A_424 = arith.cmpi ne, %sign3A_415, %ne3A_423 : vector<16xi32>
    %rem3A_425 = vector.broadcast %jit3A_404 : i32 to vector<16xi32>
    %rem3A_426 = arith.remsi %add3A_403, %rem3A_425 : vector<16xi32>
    %ne3A_427 = arith.constant 0 : i32
    %ne3A_428 = vector.broadcast %ne3A_427 : i32 to vector<16xi32>
    %ne3A_429 = arith.cmpi ne, %rem3A_426, %ne3A_428 : vector<16xi32>
    %and3A_430 = arith.andi %ne3A_424, %ne3A_429 : vector<16xi1>
    %sub3A_431 = arith.constant 1 : i32
    %sub3A_432 = vector.broadcast %sub3A_431 : i32 to vector<16xi32>
    %sub3A_433 = arith.subi %div3A_406, %sub3A_432 : vector<16xi32>
    %select_n3A_434 = arith.select %and3A_430, %sub3A_433, %div3A_406 : vector<16xi1>, vector<16xi32>
    %mul3A_435 = arith.constant 17 : i32
    %mul3A_436 = vector.broadcast %mul3A_435 : i32 to vector<16xi32>
    %mul3A_437 = arith.muli %select_n3A_434, %mul3A_436 : vector<16xi32>
    %sub3A_438 = arith.subi %add3A_403, %mul3A_437 : vector<16xi32>
    %get3A_439 = arith.constant 80 : index
    %get3A_440 = tpu.vector_load %arg7[%get3A_439] {strides = array<i32>} : memref<160xf32, #tpu.memory_space<vmem>>, vector<16xf32>,
    %add3A_441 = arith.constant 1 : i32
    %add3A_442 = vector.broadcast %add3A_441 : i32 to vector<16xi32>
    %add3A_443 = arith.addi %add3A_403, %add3A_442 : vector<16xi32>
    %min3A_444 = arith.constant 159 : i32
    %min3A_445 = vector.broadcast %min3A_444 : i32 to vector<16xi32>
    %min3A_446 = arith.minsi %add3A_443, %min3A_445 : vector<16xi32>
    %gather3A_447 = tpu.vector_load_idx %arg7[%min3A_446] : memref<160xf32, #tpu.memory_space<vmem>>[vector<16xi32>], vector<16xf32>,
    %sub3A_448 = arith.subf %gather3A_447, %get3A_440 : vector<16xf32>
    %min3A_449 = arith.constant 7 : i32
    %min3A_450 = vector.broadcast %min3A_449 : i32 to vector<16xi32>
    %min3A_451 = arith.minsi %select_n3A_434, %min3A_450 : vector<16xi32>
    %gather3A_452 = tpu.vector_load_idx %arg10[%min3A_451] : memref<32xf32, #tpu.memory_space<vmem>>[vector<16xi32>], vector<16xf32>,
    %min3A_453 = arith.constant 7 : i32
    %min3A_454 = vector.broadcast %min3A_453 : i32 to vector<16xi32>
    %min3A_455 = arith.minsi %select_n3A_434, %min3A_454 : vector<16xi32>
    %add3A_456 = arith.constant 16 : i32
    %add3A_457 = vector.broadcast %add3A_456 : i32 to vector<16xi32>
    %add3A_458 = arith.addi %min3A_455, %add3A_457 : vector<16xi32>
    %gather3A_459 = tpu.vector_load_idx %arg10[%add3A_458] : memref<32xf32, #tpu.memory_space<vmem>>[vector<16xi32>], vector<16xf32>,
    %mul3A_460 = arith.mulf %gather3A_452, %sub3A_448 : vector<16xf32>
    %swap3A_461 = arith.constant 80 : index
    %swap3A_462 = tpu.vector_load %arg11[%swap3A_461] {strides = array<i32>} : memref<160xf32, #tpu.memory_space<vmem>>, vector<16xf32>,
    tpu.vector_store %arg11[%swap3A_461], %mul3A_460 {strides = array<i32>} : memref<160xf32, #tpu.memory_space<vmem>>, vector<16xf32>,
    %convert_element_type3A_463 = arith.sitofp %sub3A_438 : vector<16xi32> to vector<16xf32>
    %sub3A_464 = arith.subf %gather3A_459, %convert_element_type3A_463 : vector<16xf32>
    %mul3A_465 = arith.mulf %sub3A_464, %sub3A_448 : vector<16xf32>
    %add3A_466 = arith.addf %get3A_440, %mul3A_465 : vector<16xf32>
    %swap3A_467 = arith.constant 80 : index
    %swap3A_468 = tpu.vector_load %arg12[%swap3A_467] {strides = array<i32>} : memref<160xf32, #tpu.memory_space<vmem>>, vector<16xf32>,
    tpu.vector_store %arg12[%swap3A_467], %add3A_466 {strides = array<i32>} : memref<160xf32, #tpu.memory_space<vmem>>, vector<16xf32>,
    %add3A_469 = arith.constant 96 : i32
    %add3A_470 = vector.broadcast %add3A_469 : i32 to vector<16xi32>
    %add3A_471 = arith.addi %iota3A, %add3A_470 : vector<16xi32>
    %jit3A_472 = arith.constant 17 : i32
    %div3A_473 = vector.broadcast %jit3A_472 : i32 to vector<16xi32>
    %div3A_474 = arith.divsi %add3A_471, %div3A_473 : vector<16xi32>
    %sign3A_475 = arith.constant 0 : i32
    %sign3A_476 = vector.broadcast %sign3A_475 : i32 to vector<16xi32>
    %sign3A_477 = arith.cmpi sgt, %add3A_471, %sign3A_476 : vector<16xi32>
    %sign3A_478 = arith.extui %sign3A_477 : vector<16xi1> to vector<16xi32>
    %sign3A_479 = arith.constant 0 : i32
    %sign3A_480 = vector.broadcast %sign3A_479 : i32 to vector<16xi32>
    %sign3A_481 = arith.cmpi slt, %add3A_471, %sign3A_480 : vector<16xi32>
    %sign3A_482 = arith.extui %sign3A_481 : vector<16xi1> to vector<16xi32>
    %sign3A_483 = arith.subi %sign3A_478, %sign3A_482 : vector<16xi32>
    %sign3A_484 = arith.constant 0 : i32
    %sign3A_485 = arith.cmpi sgt, %jit3A_472, %sign3A_484 : i32
    %sign3A_486 = arith.extui %sign3A_485 : i1 to i32
    %sign3A_487 = arith.constant 0 : i32
    %sign3A_488 = arith.cmpi slt, %jit3A_472, %sign3A_487 : i32
    %sign3A_489 = arith.extui %sign3A_488 : i1 to i32
    %sign3A_490 = arith.subi %sign3A_486, %sign3A_489 : i32
    %ne3A_491 = vector.broadcast %sign3A_490 : i32 to vector<16xi32>
    %ne3A_492 = arith.cmpi ne, %sign3A_483, %ne3A_491 : vector<16xi32>
    %rem3A_493 = vector.broadcast %jit3A_472 : i32 to vector<16xi32>
    %rem3A_494 = arith.remsi %add3A_471, %rem3A_493 : vector<16xi32>
    %ne3A_495 = arith.constant 0 : i32
    %ne3A_496 = vector.broadcast %ne3A_495 : i32 to vector<16xi32>
    %ne3A_497 = arith.cmpi ne, %rem3A_494, %ne3A_496 : vector<16xi32>
    %and3A_498 = arith.andi %ne3A_492, %ne3A_497 : vector<16xi1>
    %sub3A_499 = arith.constant 1 : i32
    %sub3A_500 = vector.broadcast %sub3A_499 : i32 to vector<16xi32>
    %sub3A_501 = arith.subi %div3A_474, %sub3A_500 : vector<16xi32>
    %select_n3A_502 = arith.select %and3A_498, %sub3A_501, %div3A_474 : vector<16xi1>, vector<16xi32>
    %mul3A_503 = arith.constant 17 : i32
    %mul3A_504 = vector.broadcast %mul3A_503 : i32 to vector<16xi32>
    %mul3A_505 = arith.muli %select_n3A_502, %mul3A_504 : vector<16xi32>
    %sub3A_506 = arith.subi %add3A_471, %mul3A_505 : vector<16xi32>
    %get3A_507 = arith.constant 96 : index
    %get3A_508 = tpu.vector_load %arg7[%get3A_507] {strides = array<i32>} : memref<160xf32, #tpu.memory_space<vmem>>, vector<16xf32>,
    %add3A_509 = arith.constant 1 : i32
    %add3A_510 = vector.broadcast %add3A_509 : i32 to vector<16xi32>
    %add3A_511 = arith.addi %add3A_471, %add3A_510 : vector<16xi32>
    %min3A_512 = arith.constant 159 : i32
    %min3A_513 = vector.broadcast %min3A_512 : i32 to vector<16xi32>
    %min3A_514 = arith.minsi %add3A_511, %min3A_513 : vector<16xi32>
    %gather3A_515 = tpu.vector_load_idx %arg7[%min3A_514] : memref<160xf32, #tpu.memory_space<vmem>>[vector<16xi32>], vector<16xf32>,
    %sub3A_516 = arith.subf %gather3A_515, %get3A_508 : vector<16xf32>
    %min3A_517 = arith.constant 7 : i32
    %min3A_518 = vector.broadcast %min3A_517 : i32 to vector<16xi32>
    %min3A_519 = arith.minsi %select_n3A_502, %min3A_518 : vector<16xi32>
    %gather3A_520 = tpu.vector_load_idx %arg10[%min3A_519] : memref<32xf32, #tpu.memory_space<vmem>>[vector<16xi32>], vector<16xf32>,
    %min3A_521 = arith.constant 7 : i32
    %min3A_522 = vector.broadcast %min3A_521 : i32 to vector<16xi32>
    %min3A_523 = arith.minsi %select_n3A_502, %min3A_522 : vector<16xi32>
    %add3A_524 = arith.constant 16 : i32
    %add3A_525 = vector.broadcast %add3A_524 : i32 to vector<16xi32>
    %add3A_526 = arith.addi %min3A_523, %add3A_525 : vector<16xi32>
    %gather3A_527 = tpu.vector_load_idx %arg10[%add3A_526] : memref<32xf32, #tpu.memory_space<vmem>>[vector<16xi32>], vector<16xf32>,
    %mul3A_528 = arith.mulf %gather3A_520, %sub3A_516 : vector<16xf32>
    %swap3A_529 = arith.constant 96 : index
    %swap3A_530 = tpu.vector_load %arg11[%swap3A_529] {strides = array<i32>} : memref<160xf32, #tpu.memory_space<vmem>>, vector<16xf32>,
    tpu.vector_store %arg11[%swap3A_529], %mul3A_528 {strides = array<i32>} : memref<160xf32, #tpu.memory_space<vmem>>, vector<16xf32>,
    %convert_element_type3A_531 = arith.sitofp %sub3A_506 : vector<16xi32> to vector<16xf32>
    %sub3A_532 = arith.subf %gather3A_527, %convert_element_type3A_531 : vector<16xf32>
    %mul3A_533 = arith.mulf %sub3A_532, %sub3A_516 : vector<16xf32>
    %add3A_534 = arith.addf %get3A_508, %mul3A_533 : vector<16xf32>
    %swap3A_535 = arith.constant 96 : index
    %swap3A_536 = tpu.vector_load %arg12[%swap3A_535] {strides = array<i32>} : memref<160xf32, #tpu.memory_space<vmem>>, vector<16xf32>,
    tpu.vector_store %arg12[%swap3A_535], %add3A_534 {strides = array<i32>} : memref<160xf32, #tpu.memory_space<vmem>>, vector<16xf32>,
    %add3A_537 = arith.constant 112 : i32
    %add3A_538 = vector.broadcast %add3A_537 : i32 to vector<16xi32>
    %add3A_539 = arith.addi %iota3A, %add3A_538 : vector<16xi32>
    %jit3A_540 = arith.constant 17 : i32
    %div3A_541 = vector.broadcast %jit3A_540 : i32 to vector<16xi32>
    %div3A_542 = arith.divsi %add3A_539, %div3A_541 : vector<16xi32>
    %sign3A_543 = arith.constant 0 : i32
    %sign3A_544 = vector.broadcast %sign3A_543 : i32 to vector<16xi32>
    %sign3A_545 = arith.cmpi sgt, %add3A_539, %sign3A_544 : vector<16xi32>
    %sign3A_546 = arith.extui %sign3A_545 : vector<16xi1> to vector<16xi32>
    %sign3A_547 = arith.constant 0 : i32
    %sign3A_548 = vector.broadcast %sign3A_547 : i32 to vector<16xi32>
    %sign3A_549 = arith.cmpi slt, %add3A_539, %sign3A_548 : vector<16xi32>
    %sign3A_550 = arith.extui %sign3A_549 : vector<16xi1> to vector<16xi32>
    %sign3A_551 = arith.subi %sign3A_546, %sign3A_550 : vector<16xi32>
    %sign3A_552 = arith.constant 0 : i32
    %sign3A_553 = arith.cmpi sgt, %jit3A_540, %sign3A_552 : i32
    %sign3A_554 = arith.extui %sign3A_553 : i1 to i32
    %sign3A_555 = arith.constant 0 : i32
    %sign3A_556 = arith.cmpi slt, %jit3A_540, %sign3A_555 : i32
    %sign3A_557 = arith.extui %sign3A_556 : i1 to i32
    %sign3A_558 = arith.subi %sign3A_554, %sign3A_557 : i32
    %ne3A_559 = vector.broadcast %sign3A_558 : i32 to vector<16xi32>
    %ne3A_560 = arith.cmpi ne, %sign3A_551, %ne3A_559 : vector<16xi32>
    %rem3A_561 = vector.broadcast %jit3A_540 : i32 to vector<16xi32>
    %rem3A_562 = arith.remsi %add3A_539, %rem3A_561 : vector<16xi32>
    %ne3A_563 = arith.constant 0 : i32
    %ne3A_564 = vector.broadcast %ne3A_563 : i32 to vector<16xi32>
    %ne3A_565 = arith.cmpi ne, %rem3A_562, %ne3A_564 : vector<16xi32>
    %and3A_566 = arith.andi %ne3A_560, %ne3A_565 : vector<16xi1>
    %sub3A_567 = arith.constant 1 : i32
    %sub3A_568 = vector.broadcast %sub3A_567 : i32 to vector<16xi32>
    %sub3A_569 = arith.subi %div3A_542, %sub3A_568 : vector<16xi32>
    %select_n3A_570 = arith.select %and3A_566, %sub3A_569, %div3A_542 : vector<16xi1>, vector<16xi32>
    %mul3A_571 = arith.constant 17 : i32
    %mul3A_572 = vector.broadcast %mul3A_571 : i32 to vector<16xi32>
    %mul3A_573 = arith.muli %select_n3A_570, %mul3A_572 : vector<16xi32>
    %sub3A_574 = arith.subi %add3A_539, %mul3A_573 : vector<16xi32>
    %get3A_575 = arith.constant 112 : index
    %get3A_576 = tpu.vector_load %arg7[%get3A_575] {strides = array<i32>} : memref<160xf32, #tpu.memory_space<vmem>>, vector<16xf32>,
    %add3A_577 = arith.constant 1 : i32
    %add3A_578 = vector.broadcast %add3A_577 : i32 to vector<16xi32>
    %add3A_579 = arith.addi %add3A_539, %add3A_578 : vector<16xi32>
    %min3A_580 = arith.constant 159 : i32
    %min3A_581 = vector.broadcast %min3A_580 : i32 to vector<16xi32>
    %min3A_582 = arith.minsi %add3A_579, %min3A_581 : vector<16xi32>
    %gather3A_583 = tpu.vector_load_idx %arg7[%min3A_582] : memref<160xf32, #tpu.memory_space<vmem>>[vector<16xi32>], vector<16xf32>,
    %sub3A_584 = arith.subf %gather3A_583, %get3A_576 : vector<16xf32>
    %min3A_585 = arith.constant 7 : i32
    %min3A_586 = vector.broadcast %min3A_585 : i32 to vector<16xi32>
    %min3A_587 = arith.minsi %select_n3A_570, %min3A_586 : vector<16xi32>
    %gather3A_588 = tpu.vector_load_idx %arg10[%min3A_587] : memref<32xf32, #tpu.memory_space<vmem>>[vector<16xi32>], vector<16xf32>,
    %min3A_589 = arith.constant 7 : i32
    %min3A_590 = vector.broadcast %min3A_589 : i32 to vector<16xi32>
    %min3A_591 = arith.minsi %select_n3A_570, %min3A_590 : vector<16xi32>
    %add3A_592 = arith.constant 16 : i32
    %add3A_593 = vector.broadcast %add3A_592 : i32 to vector<16xi32>
    %add3A_594 = arith.addi %min3A_591, %add3A_593 : vector<16xi32>
    %gather3A_595 = tpu.vector_load_idx %arg10[%add3A_594] : memref<32xf32, #tpu.memory_space<vmem>>[vector<16xi32>], vector<16xf32>,
    %mul3A_596 = arith.mulf %gather3A_588, %sub3A_584 : vector<16xf32>
    %swap3A_597 = arith.constant 112 : index
    %swap3A_598 = tpu.vector_load %arg11[%swap3A_597] {strides = array<i32>} : memref<160xf32, #tpu.memory_space<vmem>>, vector<16xf32>,
    tpu.vector_store %arg11[%swap3A_597], %mul3A_596 {strides = array<i32>} : memref<160xf32, #tpu.memory_space<vmem>>, vector<16xf32>,
    %convert_element_type3A_599 = arith.sitofp %sub3A_574 : vector<16xi32> to vector<16xf32>
    %sub3A_600 = arith.subf %gather3A_595, %convert_element_type3A_599 : vector<16xf32>
    %mul3A_601 = arith.mulf %sub3A_600, %sub3A_584 : vector<16xf32>
    %add3A_602 = arith.addf %get3A_576, %mul3A_601 : vector<16xf32>
    %swap3A_603 = arith.constant 112 : index
    %swap3A_604 = tpu.vector_load %arg12[%swap3A_603] {strides = array<i32>} : memref<160xf32, #tpu.memory_space<vmem>>, vector<16xf32>,
    tpu.vector_store %arg12[%swap3A_603], %add3A_602 {strides = array<i32>} : memref<160xf32, #tpu.memory_space<vmem>>, vector<16xf32>,
    %add3A_605 = arith.constant 128 : i32
    %add3A_606 = vector.broadcast %add3A_605 : i32 to vector<16xi32>
    %add3A_607 = arith.addi %iota3A, %add3A_606 : vector<16xi32>
    %jit3A_608 = arith.constant 17 : i32
    %div3A_609 = vector.broadcast %jit3A_608 : i32 to vector<16xi32>
    %div3A_610 = arith.divsi %add3A_607, %div3A_609 : vector<16xi32>
    %sign3A_611 = arith.constant 0 : i32
    %sign3A_612 = vector.broadcast %sign3A_611 : i32 to vector<16xi32>
    %sign3A_613 = arith.cmpi sgt, %add3A_607, %sign3A_612 : vector<16xi32>
    %sign3A_614 = arith.extui %sign3A_613 : vector<16xi1> to vector<16xi32>
    %sign3A_615 = arith.constant 0 : i32
    %sign3A_616 = vector.broadcast %sign3A_615 : i32 to vector<16xi32>
    %sign3A_617 = arith.cmpi slt, %add3A_607, %sign3A_616 : vector<16xi32>
    %sign3A_618 = arith.extui %sign3A_617 : vector<16xi1> to vector<16xi32>
    %sign3A_619 = arith.subi %sign3A_614, %sign3A_618 : vector<16xi32>
    %sign3A_620 = arith.constant 0 : i32
    %sign3A_621 = arith.cmpi sgt, %jit3A_608, %sign3A_620 : i32
    %sign3A_622 = arith.extui %sign3A_621 : i1 to i32
    %sign3A_623 = arith.constant 0 : i32
    %sign3A_624 = arith.cmpi slt, %jit3A_608, %sign3A_623 : i32
    %sign3A_625 = arith.extui %sign3A_624 : i1 to i32
    %sign3A_626 = arith.subi %sign3A_622, %sign3A_625 : i32
    %ne3A_627 = vector.broadcast %sign3A_626 : i32 to vector<16xi32>
    %ne3A_628 = arith.cmpi ne, %sign3A_619, %ne3A_627 : vector<16xi32>
    %rem3A_629 = vector.broadcast %jit3A_608 : i32 to vector<16xi32>
    %rem3A_630 = arith.remsi %add3A_607, %rem3A_629 : vector<16xi32>
    %ne3A_631 = arith.constant 0 : i32
    %ne3A_632 = vector.broadcast %ne3A_631 : i32 to vector<16xi32>
    %ne3A_633 = arith.cmpi ne, %rem3A_630, %ne3A_632 : vector<16xi32>
    %and3A_634 = arith.andi %ne3A_628, %ne3A_633 : vector<16xi1>
    %sub3A_635 = arith.constant 1 : i32
    %sub3A_636 = vector.broadcast %sub3A_635 : i32 to vector<16xi32>
    %sub3A_637 = arith.subi %div3A_610, %sub3A_636 : vector<16xi32>
    %select_n3A_638 = arith.select %and3A_634, %sub3A_637, %div3A_610 : vector<16xi1>, vector<16xi32>
    %mul3A_639 = arith.constant 17 : i32
    %mul3A_640 = vector.broadcast %mul3A_639 : i32 to vector<16xi32>
    %mul3A_641 = arith.muli %select_n3A_638, %mul3A_640 : vector<16xi32>
    %sub3A_642 = arith.subi %add3A_607, %mul3A_641 : vector<16xi32>
    %get3A_643 = arith.constant 128 : index
    %get3A_644 = tpu.vector_load %arg7[%get3A_643] {strides = array<i32>} : memref<160xf32, #tpu.memory_space<vmem>>, vector<16xf32>,
    %add3A_645 = arith.constant 1 : i32
    %add3A_646 = vector.broadcast %add3A_645 : i32 to vector<16xi32>
    %add3A_647 = arith.addi %add3A_607, %add3A_646 : vector<16xi32>
    %min3A_648 = arith.constant 159 : i32
    %min3A_649 = vector.broadcast %min3A_648 : i32 to vector<16xi32>
    %min3A_650 = arith.minsi %add3A_647, %min3A_649 : vector<16xi32>
    %gather3A_651 = tpu.vector_load_idx %arg7[%min3A_650] : memref<160xf32, #tpu.memory_space<vmem>>[vector<16xi32>], vector<16xf32>,
    %sub3A_652 = arith.subf %gather3A_651, %get3A_644 : vector<16xf32>
    %min3A_653 = arith.constant 7 : i32
    %min3A_654 = vector.broadcast %min3A_653 : i32 to vector<16xi32>
    %min3A_655 = arith.minsi %select_n3A_638, %min3A_654 : vector<16xi32>
    %gather3A_656 = tpu.vector_load_idx %arg10[%min3A_655] : memref<32xf32, #tpu.memory_space<vmem>>[vector<16xi32>], vector<16xf32>,
    %min3A_657 = arith.constant 7 : i32
    %min3A_658 = vector.broadcast %min3A_657 : i32 to vector<16xi32>
    %min3A_659 = arith.minsi %select_n3A_638, %min3A_658 : vector<16xi32>
    %add3A_660 = arith.constant 16 : i32
    %add3A_661 = vector.broadcast %add3A_660 : i32 to vector<16xi32>
    %add3A_662 = arith.addi %min3A_659, %add3A_661 : vector<16xi32>
    %gather3A_663 = tpu.vector_load_idx %arg10[%add3A_662] : memref<32xf32, #tpu.memory_space<vmem>>[vector<16xi32>], vector<16xf32>,
    %mul3A_664 = arith.mulf %gather3A_656, %sub3A_652 : vector<16xf32>
    %swap3A_665 = arith.constant 128 : index
    %swap3A_666 = tpu.vector_load %arg11[%swap3A_665] {strides = array<i32>} : memref<160xf32, #tpu.memory_space<vmem>>, vector<16xf32>,
    tpu.vector_store %arg11[%swap3A_665], %mul3A_664 {strides = array<i32>} : memref<160xf32, #tpu.memory_space<vmem>>, vector<16xf32>,
    %convert_element_type3A_667 = arith.sitofp %sub3A_642 : vector<16xi32> to vector<16xf32>
    %sub3A_668 = arith.subf %gather3A_663, %convert_element_type3A_667 : vector<16xf32>
    %mul3A_669 = arith.mulf %sub3A_668, %sub3A_652 : vector<16xf32>
    %add3A_670 = arith.addf %get3A_644, %mul3A_669 : vector<16xf32>
    %swap3A_671 = arith.constant 128 : index
    %swap3A_672 = tpu.vector_load %arg12[%swap3A_671] {strides = array<i32>} : memref<160xf32, #tpu.memory_space<vmem>>, vector<16xf32>,
    tpu.vector_store %arg12[%swap3A_671], %add3A_670 {strides = array<i32>} : memref<160xf32, #tpu.memory_space<vmem>>, vector<16xf32>,
    %add3A_673 = arith.constant 144 : i32
    %add3A_674 = vector.broadcast %add3A_673 : i32 to vector<16xi32>
    %add3A_675 = arith.addi %iota3A, %add3A_674 : vector<16xi32>
    %jit3A_676 = arith.constant 17 : i32
    %div3A_677 = vector.broadcast %jit3A_676 : i32 to vector<16xi32>
    %div3A_678 = arith.divsi %add3A_675, %div3A_677 : vector<16xi32>
    %sign3A_679 = arith.constant 0 : i32
    %sign3A_680 = vector.broadcast %sign3A_679 : i32 to vector<16xi32>
    %sign3A_681 = arith.cmpi sgt, %add3A_675, %sign3A_680 : vector<16xi32>
    %sign3A_682 = arith.extui %sign3A_681 : vector<16xi1> to vector<16xi32>
    %sign3A_683 = arith.constant 0 : i32
    %sign3A_684 = vector.broadcast %sign3A_683 : i32 to vector<16xi32>
    %sign3A_685 = arith.cmpi slt, %add3A_675, %sign3A_684 : vector<16xi32>
    %sign3A_686 = arith.extui %sign3A_685 : vector<16xi1> to vector<16xi32>
    %sign3A_687 = arith.subi %sign3A_682, %sign3A_686 : vector<16xi32>
    %sign3A_688 = arith.constant 0 : i32
    %sign3A_689 = arith.cmpi sgt, %jit3A_676, %sign3A_688 : i32
    %sign3A_690 = arith.extui %sign3A_689 : i1 to i32
    %sign3A_691 = arith.constant 0 : i32
    %sign3A_692 = arith.cmpi slt, %jit3A_676, %sign3A_691 : i32
    %sign3A_693 = arith.extui %sign3A_692 : i1 to i32
    %sign3A_694 = arith.subi %sign3A_690, %sign3A_693 : i32
    %ne3A_695 = vector.broadcast %sign3A_694 : i32 to vector<16xi32>
    %ne3A_696 = arith.cmpi ne, %sign3A_687, %ne3A_695 : vector<16xi32>
    %rem3A_697 = vector.broadcast %jit3A_676 : i32 to vector<16xi32>
    %rem3A_698 = arith.remsi %add3A_675, %rem3A_697 : vector<16xi32>
    %ne3A_699 = arith.constant 0 : i32
    %ne3A_700 = vector.broadcast %ne3A_699 : i32 to vector<16xi32>
    %ne3A_701 = arith.cmpi ne, %rem3A_698, %ne3A_700 : vector<16xi32>
    %and3A_702 = arith.andi %ne3A_696, %ne3A_701 : vector<16xi1>
    %sub3A_703 = arith.constant 1 : i32
    %sub3A_704 = vector.broadcast %sub3A_703 : i32 to vector<16xi32>
    %sub3A_705 = arith.subi %div3A_678, %sub3A_704 : vector<16xi32>
    %select_n3A_706 = arith.select %and3A_702, %sub3A_705, %div3A_678 : vector<16xi1>, vector<16xi32>
    %mul3A_707 = arith.constant 17 : i32
    %mul3A_708 = vector.broadcast %mul3A_707 : i32 to vector<16xi32>
    %mul3A_709 = arith.muli %select_n3A_706, %mul3A_708 : vector<16xi32>
    %sub3A_710 = arith.subi %add3A_675, %mul3A_709 : vector<16xi32>
    %get3A_711 = arith.constant 144 : index
    %get3A_712 = tpu.vector_load %arg7[%get3A_711] {strides = array<i32>} : memref<160xf32, #tpu.memory_space<vmem>>, vector<16xf32>,
    %add3A_713 = arith.constant 1 : i32
    %add3A_714 = vector.broadcast %add3A_713 : i32 to vector<16xi32>
    %add3A_715 = arith.addi %add3A_675, %add3A_714 : vector<16xi32>
    %min3A_716 = arith.constant 159 : i32
    %min3A_717 = vector.broadcast %min3A_716 : i32 to vector<16xi32>
    %min3A_718 = arith.minsi %add3A_715, %min3A_717 : vector<16xi32>
    %gather3A_719 = tpu.vector_load_idx %arg7[%min3A_718] : memref<160xf32, #tpu.memory_space<vmem>>[vector<16xi32>], vector<16xf32>,
    %sub3A_720 = arith.subf %gather3A_719, %get3A_712 : vector<16xf32>
    %min3A_721 = arith.constant 7 : i32
    %min3A_722 = vector.broadcast %min3A_721 : i32 to vector<16xi32>
    %min3A_723 = arith.minsi %select_n3A_706, %min3A_722 : vector<16xi32>
    %gather3A_724 = tpu.vector_load_idx %arg10[%min3A_723] : memref<32xf32, #tpu.memory_space<vmem>>[vector<16xi32>], vector<16xf32>,
    %min3A_725 = arith.constant 7 : i32
    %min3A_726 = vector.broadcast %min3A_725 : i32 to vector<16xi32>
    %min3A_727 = arith.minsi %select_n3A_706, %min3A_726 : vector<16xi32>
    %add3A_728 = arith.constant 16 : i32
    %add3A_729 = vector.broadcast %add3A_728 : i32 to vector<16xi32>
    %add3A_730 = arith.addi %min3A_727, %add3A_729 : vector<16xi32>
    %gather3A_731 = tpu.vector_load_idx %arg10[%add3A_730] : memref<32xf32, #tpu.memory_space<vmem>>[vector<16xi32>], vector<16xf32>,
    %mul3A_732 = arith.mulf %gather3A_724, %sub3A_720 : vector<16xf32>
    %swap3A_733 = arith.constant 144 : index
    %swap3A_734 = tpu.vector_load %arg11[%swap3A_733] {strides = array<i32>} : memref<160xf32, #tpu.memory_space<vmem>>, vector<16xf32>,
    tpu.vector_store %arg11[%swap3A_733], %mul3A_732 {strides = array<i32>} : memref<160xf32, #tpu.memory_space<vmem>>, vector<16xf32>,
    %convert_element_type3A_735 = arith.sitofp %sub3A_710 : vector<16xi32> to vector<16xf32>
    %sub3A_736 = arith.subf %gather3A_731, %convert_element_type3A_735 : vector<16xf32>
    %mul3A_737 = arith.mulf %sub3A_736, %sub3A_720 : vector<16xf32>
    %add3A_738 = arith.addf %get3A_712, %mul3A_737 : vector<16xf32>
    %swap3A_739 = arith.constant 144 : index
    %swap3A_740 = tpu.vector_load %arg12[%swap3A_739] {strides = array<i32>} : memref<160xf32, #tpu.memory_space<vmem>>, vector<16xf32>,
    tpu.vector_store %arg12[%swap3A_739], %add3A_738 {strides = array<i32>} : memref<160xf32, #tpu.memory_space<vmem>>, vector<16xf32>,
    %dma_wait3A = arith.constant 0 : i32
    %dma_wait3A_741 = tpu.memref_slice %arg8[%dma_wait3A] : memref<32768xf32, #tpu.memory_space<vmem>> -> memref<8192xf32, #tpu.memory_space<vmem>>
    %dma_wait3A_742 = tpu.memref_slice %arg2[%add3A_4] : memref<1048576xf32, #tpu.memory_space<hbm>> -> memref<8192xf32, #tpu.memory_space<hbm>>
    %dma_wait3A_743 = arith.constant 0 : i32
    %dma_wait3A_744 = tpu.memref_slice %arg8[%dma_wait3A_743] : memref<32768xf32, #tpu.memory_space<vmem>> -> memref<8192xf32, #tpu.memory_space<vmem>>
    %dma_wait3A_745 = tpu.memref_slice %arg2[%add3A_4] : memref<1048576xf32, #tpu.memory_space<hbm>> -> memref<8192xf32, #tpu.memory_space<hbm>>
    tpu.wait_dma2 semaphore(%arg14 : memref<!tpu.dma_semaphore, #tpu.memory_space<semaphore_mem>>) src(%dma_wait3A_745 : memref<8192xf32, #tpu.memory_space<hbm>>) dst(%dma_wait3A_744 : memref<8192xf32, #tpu.memory_space<vmem>>)
    %parallel_loop3A = arith.constant 0 : i32
    %parallel_loop3A_746 = arith.constant 8192 : i32
    %parallel_loop3A_747 = arith.constant 16 : i32
    scf.for %parallel_loop3A_831 = %parallel_loop3A to %parallel_loop3A_746 step %parallel_loop3A_747  : i32 {
      %parallel_loop3A_832 = arith.index_cast %parallel_loop3A_831 : i32 to index
      %parallel_loop3A_833 = tpu.vector_load %arg8[%parallel_loop3A_832] {strides = array<i32>} : memref<32768xf32, #tpu.memory_space<vmem>>, vector<16xf32>,
      %parallel_loop3A_834 = arith.mulf %parallel_loop3A_833, %div3A_54 : vector<16xf32>
      %parallel_loop3A_835 = arith.addf %parallel_loop3A_834, %mul3A_57 : vector<16xf32>
      %parallel_loop3A_836 = arith.fptosi %parallel_loop3A_835 : vector<16xf32> to vector<16xi32>
      %parallel_loop3A_837 = arith.constant 0 : i32
      %parallel_loop3A_838 = vector.broadcast %parallel_loop3A_837 : i32 to vector<16xi32>
      %parallel_loop3A_839 = arith.maxsi %parallel_loop3A_836, %parallel_loop3A_838 : vector<16xi32>
      %parallel_loop3A_840 = arith.constant 15 : i32
      %parallel_loop3A_841 = vector.broadcast %parallel_loop3A_840 : i32 to vector<16xi32>
      %parallel_loop3A_842 = arith.minsi %parallel_loop3A_839, %parallel_loop3A_841 : vector<16xi32>
      %parallel_loop3A_843 = arith.addi %parallel_loop3A_842, %mul3A_60 : vector<16xi32>
      %parallel_loop3A_844 = tpu.vector_load_idx %arg11[%parallel_loop3A_843] : memref<160xf32, #tpu.memory_space<vmem>>[vector<16xi32>], vector<16xf32>,
      %parallel_loop3A_845 = tpu.vector_load_idx %arg12[%parallel_loop3A_843] : memref<160xf32, #tpu.memory_space<vmem>>[vector<16xi32>], vector<16xf32>,
      %parallel_loop3A_846 = arith.mulf %parallel_loop3A_833, %parallel_loop3A_844 : vector<16xf32>
      %parallel_loop3A_847 = arith.addf %parallel_loop3A_846, %parallel_loop3A_845 : vector<16xf32>
      %parallel_loop3A_848 = arith.index_cast %parallel_loop3A_831 : i32 to index
      %parallel_loop3A_849 = tpu.vector_load %arg9[%parallel_loop3A_848] {strides = array<i32>} : memref<32768xf32, #tpu.memory_space<vmem>>, vector<16xf32>,
      tpu.vector_store %arg9[%parallel_loop3A_848], %parallel_loop3A_847 {strides = array<i32>} : memref<32768xf32, #tpu.memory_space<vmem>>, vector<16xf32>,
    } {sc.loop_unroll_factor = 8 : i64, sc.parallel_access}
    %add3A_748 = arith.constant 0 : i32
    %add3A_749 = arith.addi %mul3A_2, %add3A_748 : i32
    %dma_start3A_750 = arith.constant 0 : i32
    %dma_start3A_751 = tpu.memref_slice %arg9[%dma_start3A_750] : memref<32768xf32, #tpu.memory_space<vmem>> -> memref<8192xf32, #tpu.memory_space<vmem>>
    %dma_start3A_752 = tpu.memref_slice %arg5[%add3A_749] : memref<1048576xf32, #tpu.memory_space<hbm>> -> memref<8192xf32, #tpu.memory_space<hbm>>
    %dma_start3A_753 = tpu.memref_slice %arg5[%add3A_749] : memref<1048576xf32, #tpu.memory_space<hbm>> -> memref<8192xf32, #tpu.memory_space<hbm>>
    %dma_start3A_754 = arith.constant 0 : i32
    %dma_start3A_755 = tpu.memref_slice %arg9[%dma_start3A_754] : memref<32768xf32, #tpu.memory_space<vmem>> -> memref<8192xf32, #tpu.memory_space<vmem>>
    tpu.enqueue_dma source(%dma_start3A_755 : memref<8192xf32, #tpu.memory_space<vmem>>) target(%dma_start3A_753 : memref<8192xf32, #tpu.memory_space<hbm>>) target_semaphore(%arg18 : memref<!tpu.dma_semaphore, #tpu.memory_space<semaphore_mem>>)
    %dma_wait3A_756 = arith.constant 8192 : i32
    %dma_wait3A_757 = tpu.memref_slice %arg8[%dma_wait3A_756] : memref<32768xf32, #tpu.memory_space<vmem>> -> memref<8192xf32, #tpu.memory_space<vmem>>
    %dma_wait3A_758 = tpu.memref_slice %arg2[%add3A_11] : memref<1048576xf32, #tpu.memory_space<hbm>> -> memref<8192xf32, #tpu.memory_space<hbm>>
    %dma_wait3A_759 = arith.constant 8192 : i32
    %dma_wait3A_760 = tpu.memref_slice %arg8[%dma_wait3A_759] : memref<32768xf32, #tpu.memory_space<vmem>> -> memref<8192xf32, #tpu.memory_space<vmem>>
    %dma_wait3A_761 = tpu.memref_slice %arg2[%add3A_11] : memref<1048576xf32, #tpu.memory_space<hbm>> -> memref<8192xf32, #tpu.memory_space<hbm>>
    tpu.wait_dma2 semaphore(%arg15 : memref<!tpu.dma_semaphore, #tpu.memory_space<semaphore_mem>>) src(%dma_wait3A_761 : memref<8192xf32, #tpu.memory_space<hbm>>) dst(%dma_wait3A_760 : memref<8192xf32, #tpu.memory_space<vmem>>)
    %parallel_loop3A_762 = arith.constant 8192 : i32
    %parallel_loop3A_763 = arith.constant 16384 : i32
    %parallel_loop3A_764 = arith.constant 16 : i32
    scf.for %parallel_loop3A_831 = %parallel_loop3A_762 to %parallel_loop3A_763 step %parallel_loop3A_764  : i32 {
      %parallel_loop3A_832 = arith.index_cast %parallel_loop3A_831 : i32 to index
      %parallel_loop3A_833 = tpu.vector_load %arg8[%parallel_loop3A_832] {strides = array<i32>} : memref<32768xf32, #tpu.memory_space<vmem>>, vector<16xf32>,
      %parallel_loop3A_834 = arith.mulf %parallel_loop3A_833, %div3A_54 : vector<16xf32>
      %parallel_loop3A_835 = arith.addf %parallel_loop3A_834, %mul3A_57 : vector<16xf32>
      %parallel_loop3A_836 = arith.fptosi %parallel_loop3A_835 : vector<16xf32> to vector<16xi32>
      %parallel_loop3A_837 = arith.constant 0 : i32
      %parallel_loop3A_838 = vector.broadcast %parallel_loop3A_837 : i32 to vector<16xi32>
      %parallel_loop3A_839 = arith.maxsi %parallel_loop3A_836, %parallel_loop3A_838 : vector<16xi32>
      %parallel_loop3A_840 = arith.constant 15 : i32
      %parallel_loop3A_841 = vector.broadcast %parallel_loop3A_840 : i32 to vector<16xi32>
      %parallel_loop3A_842 = arith.minsi %parallel_loop3A_839, %parallel_loop3A_841 : vector<16xi32>
      %parallel_loop3A_843 = arith.addi %parallel_loop3A_842, %mul3A_60 : vector<16xi32>
      %parallel_loop3A_844 = tpu.vector_load_idx %arg11[%parallel_loop3A_843] : memref<160xf32, #tpu.memory_space<vmem>>[vector<16xi32>], vector<16xf32>,
      %parallel_loop3A_845 = tpu.vector_load_idx %arg12[%parallel_loop3A_843] : memref<160xf32, #tpu.memory_space<vmem>>[vector<16xi32>], vector<16xf32>,
      %parallel_loop3A_846 = arith.mulf %parallel_loop3A_833, %parallel_loop3A_844 : vector<16xf32>
      %parallel_loop3A_847 = arith.addf %parallel_loop3A_846, %parallel_loop3A_845 : vector<16xf32>
      %parallel_loop3A_848 = arith.index_cast %parallel_loop3A_831 : i32 to index
      %parallel_loop3A_849 = tpu.vector_load %arg9[%parallel_loop3A_848] {strides = array<i32>} : memref<32768xf32, #tpu.memory_space<vmem>>, vector<16xf32>,
      tpu.vector_store %arg9[%parallel_loop3A_848], %parallel_loop3A_847 {strides = array<i32>} : memref<32768xf32, #tpu.memory_space<vmem>>, vector<16xf32>,
    } {sc.loop_unroll_factor = 8 : i64, sc.parallel_access}
    %add3A_765 = arith.constant 8192 : i32
    %add3A_766 = arith.addi %mul3A_2, %add3A_765 : i32
    %dma_start3A_767 = arith.constant 8192 : i32
    %dma_start3A_768 = tpu.memref_slice %arg9[%dma_start3A_767] : memref<32768xf32, #tpu.memory_space<vmem>> -> memref<8192xf32, #tpu.memory_space<vmem>>
    %dma_start3A_769 = tpu.memref_slice %arg5[%add3A_766] : memref<1048576xf32, #tpu.memory_space<hbm>> -> memref<8192xf32, #tpu.memory_space<hbm>>
    %dma_start3A_770 = tpu.memref_slice %arg5[%add3A_766] : memref<1048576xf32, #tpu.memory_space<hbm>> -> memref<8192xf32, #tpu.memory_space<hbm>>
    %dma_start3A_771 = arith.constant 8192 : i32
    %dma_start3A_772 = tpu.memref_slice %arg9[%dma_start3A_771] : memref<32768xf32, #tpu.memory_space<vmem>> -> memref<8192xf32, #tpu.memory_space<vmem>>
    tpu.enqueue_dma source(%dma_start3A_772 : memref<8192xf32, #tpu.memory_space<vmem>>) target(%dma_start3A_770 : memref<8192xf32, #tpu.memory_space<hbm>>) target_semaphore(%arg19 : memref<!tpu.dma_semaphore, #tpu.memory_space<semaphore_mem>>)
    %dma_wait3A_773 = arith.constant 16384 : i32
    %dma_wait3A_774 = tpu.memref_slice %arg8[%dma_wait3A_773] : memref<32768xf32, #tpu.memory_space<vmem>> -> memref<8192xf32, #tpu.memory_space<vmem>>
    %dma_wait3A_775 = tpu.memref_slice %arg2[%add3A_19] : memref<1048576xf32, #tpu.memory_space<hbm>> -> memref<8192xf32, #tpu.memory_space<hbm>>
    %dma_wait3A_776 = arith.constant 16384 : i32
    %dma_wait3A_777 = tpu.memref_slice %arg8[%dma_wait3A_776] : memref<32768xf32, #tpu.memory_space<vmem>> -> memref<8192xf32, #tpu.memory_space<vmem>>
    %dma_wait3A_778 = tpu.memref_slice %arg2[%add3A_19] : memref<1048576xf32, #tpu.memory_space<hbm>> -> memref<8192xf32, #tpu.memory_space<hbm>>
    tpu.wait_dma2 semaphore(%arg16 : memref<!tpu.dma_semaphore, #tpu.memory_space<semaphore_mem>>) src(%dma_wait3A_778 : memref<8192xf32, #tpu.memory_space<hbm>>) dst(%dma_wait3A_777 : memref<8192xf32, #tpu.memory_space<vmem>>)
    %parallel_loop3A_779 = arith.constant 16384 : i32
    %parallel_loop3A_780 = arith.constant 24576 : i32
    %parallel_loop3A_781 = arith.constant 16 : i32
    scf.for %parallel_loop3A_831 = %parallel_loop3A_779 to %parallel_loop3A_780 step %parallel_loop3A_781  : i32 {
      %parallel_loop3A_832 = arith.index_cast %parallel_loop3A_831 : i32 to index
      %parallel_loop3A_833 = tpu.vector_load %arg8[%parallel_loop3A_832] {strides = array<i32>} : memref<32768xf32, #tpu.memory_space<vmem>>, vector<16xf32>,
      %parallel_loop3A_834 = arith.mulf %parallel_loop3A_833, %div3A_54 : vector<16xf32>
      %parallel_loop3A_835 = arith.addf %parallel_loop3A_834, %mul3A_57 : vector<16xf32>
      %parallel_loop3A_836 = arith.fptosi %parallel_loop3A_835 : vector<16xf32> to vector<16xi32>
      %parallel_loop3A_837 = arith.constant 0 : i32
      %parallel_loop3A_838 = vector.broadcast %parallel_loop3A_837 : i32 to vector<16xi32>
      %parallel_loop3A_839 = arith.maxsi %parallel_loop3A_836, %parallel_loop3A_838 : vector<16xi32>
      %parallel_loop3A_840 = arith.constant 15 : i32
      %parallel_loop3A_841 = vector.broadcast %parallel_loop3A_840 : i32 to vector<16xi32>
      %parallel_loop3A_842 = arith.minsi %parallel_loop3A_839, %parallel_loop3A_841 : vector<16xi32>
      %parallel_loop3A_843 = arith.addi %parallel_loop3A_842, %mul3A_60 : vector<16xi32>
      %parallel_loop3A_844 = tpu.vector_load_idx %arg11[%parallel_loop3A_843] : memref<160xf32, #tpu.memory_space<vmem>>[vector<16xi32>], vector<16xf32>,
      %parallel_loop3A_845 = tpu.vector_load_idx %arg12[%parallel_loop3A_843] : memref<160xf32, #tpu.memory_space<vmem>>[vector<16xi32>], vector<16xf32>,
      %parallel_loop3A_846 = arith.mulf %parallel_loop3A_833, %parallel_loop3A_844 : vector<16xf32>
      %parallel_loop3A_847 = arith.addf %parallel_loop3A_846, %parallel_loop3A_845 : vector<16xf32>
      %parallel_loop3A_848 = arith.index_cast %parallel_loop3A_831 : i32 to index
      %parallel_loop3A_849 = tpu.vector_load %arg9[%parallel_loop3A_848] {strides = array<i32>} : memref<32768xf32, #tpu.memory_space<vmem>>, vector<16xf32>,
      tpu.vector_store %arg9[%parallel_loop3A_848], %parallel_loop3A_847 {strides = array<i32>} : memref<32768xf32, #tpu.memory_space<vmem>>, vector<16xf32>,
    } {sc.loop_unroll_factor = 8 : i64, sc.parallel_access}
    %add3A_782 = arith.constant 16384 : i32
    %add3A_783 = arith.addi %mul3A_2, %add3A_782 : i32
    %dma_start3A_784 = arith.constant 16384 : i32
    %dma_start3A_785 = tpu.memref_slice %arg9[%dma_start3A_784] : memref<32768xf32, #tpu.memory_space<vmem>> -> memref<8192xf32, #tpu.memory_space<vmem>>
    %dma_start3A_786 = tpu.memref_slice %arg5[%add3A_783] : memref<1048576xf32, #tpu.memory_space<hbm>> -> memref<8192xf32, #tpu.memory_space<hbm>>
    %dma_start3A_787 = tpu.memref_slice %arg5[%add3A_783] : memref<1048576xf32, #tpu.memory_space<hbm>> -> memref<8192xf32, #tpu.memory_space<hbm>>
    %dma_start3A_788 = arith.constant 16384 : i32
    %dma_start3A_789 = tpu.memref_slice %arg9[%dma_start3A_788] : memref<32768xf32, #tpu.memory_space<vmem>> -> memref<8192xf32, #tpu.memory_space<vmem>>
    tpu.enqueue_dma source(%dma_start3A_789 : memref<8192xf32, #tpu.memory_space<vmem>>) target(%dma_start3A_787 : memref<8192xf32, #tpu.memory_space<hbm>>) target_semaphore(%arg20 : memref<!tpu.dma_semaphore, #tpu.memory_space<semaphore_mem>>)
    %dma_wait3A_790 = arith.constant 24576 : i32
    %dma_wait3A_791 = tpu.memref_slice %arg8[%dma_wait3A_790] : memref<32768xf32, #tpu.memory_space<vmem>> -> memref<8192xf32, #tpu.memory_space<vmem>>
    %dma_wait3A_792 = tpu.memref_slice %arg2[%add3A_27] : memref<1048576xf32, #tpu.memory_space<hbm>> -> memref<8192xf32, #tpu.memory_space<hbm>>
    %dma_wait3A_793 = arith.constant 24576 : i32
    %dma_wait3A_794 = tpu.memref_slice %arg8[%dma_wait3A_793] : memref<32768xf32, #tpu.memory_space<vmem>> -> memref<8192xf32, #tpu.memory_space<vmem>>
    %dma_wait3A_795 = tpu.memref_slice %arg2[%add3A_27] : memref<1048576xf32, #tpu.memory_space<hbm>> -> memref<8192xf32, #tpu.memory_space<hbm>>
    tpu.wait_dma2 semaphore(%arg17 : memref<!tpu.dma_semaphore, #tpu.memory_space<semaphore_mem>>) src(%dma_wait3A_795 : memref<8192xf32, #tpu.memory_space<hbm>>) dst(%dma_wait3A_794 : memref<8192xf32, #tpu.memory_space<vmem>>)
    %parallel_loop3A_796 = arith.constant 24576 : i32
    %parallel_loop3A_797 = arith.constant 32768 : i32
    %parallel_loop3A_798 = arith.constant 16 : i32
    scf.for %parallel_loop3A_831 = %parallel_loop3A_796 to %parallel_loop3A_797 step %parallel_loop3A_798  : i32 {
      %parallel_loop3A_832 = arith.index_cast %parallel_loop3A_831 : i32 to index
      %parallel_loop3A_833 = tpu.vector_load %arg8[%parallel_loop3A_832] {strides = array<i32>} : memref<32768xf32, #tpu.memory_space<vmem>>, vector<16xf32>,
      %parallel_loop3A_834 = arith.mulf %parallel_loop3A_833, %div3A_54 : vector<16xf32>
      %parallel_loop3A_835 = arith.addf %parallel_loop3A_834, %mul3A_57 : vector<16xf32>
      %parallel_loop3A_836 = arith.fptosi %parallel_loop3A_835 : vector<16xf32> to vector<16xi32>
      %parallel_loop3A_837 = arith.constant 0 : i32
      %parallel_loop3A_838 = vector.broadcast %parallel_loop3A_837 : i32 to vector<16xi32>
      %parallel_loop3A_839 = arith.maxsi %parallel_loop3A_836, %parallel_loop3A_838 : vector<16xi32>
      %parallel_loop3A_840 = arith.constant 15 : i32
      %parallel_loop3A_841 = vector.broadcast %parallel_loop3A_840 : i32 to vector<16xi32>
      %parallel_loop3A_842 = arith.minsi %parallel_loop3A_839, %parallel_loop3A_841 : vector<16xi32>
      %parallel_loop3A_843 = arith.addi %parallel_loop3A_842, %mul3A_60 : vector<16xi32>
      %parallel_loop3A_844 = tpu.vector_load_idx %arg11[%parallel_loop3A_843] : memref<160xf32, #tpu.memory_space<vmem>>[vector<16xi32>], vector<16xf32>,
      %parallel_loop3A_845 = tpu.vector_load_idx %arg12[%parallel_loop3A_843] : memref<160xf32, #tpu.memory_space<vmem>>[vector<16xi32>], vector<16xf32>,
      %parallel_loop3A_846 = arith.mulf %parallel_loop3A_833, %parallel_loop3A_844 : vector<16xf32>
      %parallel_loop3A_847 = arith.addf %parallel_loop3A_846, %parallel_loop3A_845 : vector<16xf32>
      %parallel_loop3A_848 = arith.index_cast %parallel_loop3A_831 : i32 to index
      %parallel_loop3A_849 = tpu.vector_load %arg9[%parallel_loop3A_848] {strides = array<i32>} : memref<32768xf32, #tpu.memory_space<vmem>>, vector<16xf32>,
      tpu.vector_store %arg9[%parallel_loop3A_848], %parallel_loop3A_847 {strides = array<i32>} : memref<32768xf32, #tpu.memory_space<vmem>>, vector<16xf32>,
    } {sc.loop_unroll_factor = 8 : i64, sc.parallel_access}
    %add3A_799 = arith.constant 24576 : i32
    %add3A_800 = arith.addi %mul3A_2, %add3A_799 : i32
    %dma_start3A_801 = arith.constant 24576 : i32
    %dma_start3A_802 = tpu.memref_slice %arg9[%dma_start3A_801] : memref<32768xf32, #tpu.memory_space<vmem>> -> memref<8192xf32, #tpu.memory_space<vmem>>
    %dma_start3A_803 = tpu.memref_slice %arg5[%add3A_800] : memref<1048576xf32, #tpu.memory_space<hbm>> -> memref<8192xf32, #tpu.memory_space<hbm>>
    %dma_start3A_804 = tpu.memref_slice %arg5[%add3A_800] : memref<1048576xf32, #tpu.memory_space<hbm>> -> memref<8192xf32, #tpu.memory_space<hbm>>
    %dma_start3A_805 = arith.constant 24576 : i32
    %dma_start3A_806 = tpu.memref_slice %arg9[%dma_start3A_805] : memref<32768xf32, #tpu.memory_space<vmem>> -> memref<8192xf32, #tpu.memory_space<vmem>>
    tpu.enqueue_dma source(%dma_start3A_806 : memref<8192xf32, #tpu.memory_space<vmem>>) target(%dma_start3A_804 : memref<8192xf32, #tpu.memory_space<hbm>>) target_semaphore(%arg21 : memref<!tpu.dma_semaphore, #tpu.memory_space<semaphore_mem>>)
    %dma_wait3A_807 = arith.constant 0 : i32
    %dma_wait3A_808 = tpu.memref_slice %arg9[%dma_wait3A_807] : memref<32768xf32, #tpu.memory_space<vmem>> -> memref<8192xf32, #tpu.memory_space<vmem>>
    %dma_wait3A_809 = tpu.memref_slice %arg5[%add3A_749] : memref<1048576xf32, #tpu.memory_space<hbm>> -> memref<8192xf32, #tpu.memory_space<hbm>>
    %dma_wait3A_810 = tpu.memref_slice %arg5[%add3A_749] : memref<1048576xf32, #tpu.memory_space<hbm>> -> memref<8192xf32, #tpu.memory_space<hbm>>
    %dma_wait3A_811 = arith.constant 0 : i32
    %dma_wait3A_812 = tpu.memref_slice %arg9[%dma_wait3A_811] : memref<32768xf32, #tpu.memory_space<vmem>> -> memref<8192xf32, #tpu.memory_space<vmem>>
    tpu.wait_dma2 semaphore(%arg18 : memref<!tpu.dma_semaphore, #tpu.memory_space<semaphore_mem>>) src(%dma_wait3A_812 : memref<8192xf32, #tpu.memory_space<vmem>>) dst(%dma_wait3A_810 : memref<8192xf32, #tpu.memory_space<hbm>>)
    %dma_wait3A_813 = arith.constant 8192 : i32
    %dma_wait3A_814 = tpu.memref_slice %arg9[%dma_wait3A_813] : memref<32768xf32, #tpu.memory_space<vmem>> -> memref<8192xf32, #tpu.memory_space<vmem>>
    %dma_wait3A_815 = tpu.memref_slice %arg5[%add3A_766] : memref<1048576xf32, #tpu.memory_space<hbm>> -> memref<8192xf32, #tpu.memory_space<hbm>>
    %dma_wait3A_816 = tpu.memref_slice %arg5[%add3A_766] : memref<1048576xf32, #tpu.memory_space<hbm>> -> memref<8192xf32, #tpu.memory_space<hbm>>
    %dma_wait3A_817 = arith.constant 8192 : i32
    %dma_wait3A_818 = tpu.memref_slice %arg9[%dma_wait3A_817] : memref<32768xf32, #tpu.memory_space<vmem>> -> memref<8192xf32, #tpu.memory_space<vmem>>
    tpu.wait_dma2 semaphore(%arg19 : memref<!tpu.dma_semaphore, #tpu.memory_space<semaphore_mem>>) src(%dma_wait3A_818 : memref<8192xf32, #tpu.memory_space<vmem>>) dst(%dma_wait3A_816 : memref<8192xf32, #tpu.memory_space<hbm>>)
    %dma_wait3A_819 = arith.constant 16384 : i32
    %dma_wait3A_820 = tpu.memref_slice %arg9[%dma_wait3A_819] : memref<32768xf32, #tpu.memory_space<vmem>> -> memref<8192xf32, #tpu.memory_space<vmem>>
    %dma_wait3A_821 = tpu.memref_slice %arg5[%add3A_783] : memref<1048576xf32, #tpu.memory_space<hbm>> -> memref<8192xf32, #tpu.memory_space<hbm>>
    %dma_wait3A_822 = tpu.memref_slice %arg5[%add3A_783] : memref<1048576xf32, #tpu.memory_space<hbm>> -> memref<8192xf32, #tpu.memory_space<hbm>>
    %dma_wait3A_823 = arith.constant 16384 : i32
    %dma_wait3A_824 = tpu.memref_slice %arg9[%dma_wait3A_823] : memref<32768xf32, #tpu.memory_space<vmem>> -> memref<8192xf32, #tpu.memory_space<vmem>>
    tpu.wait_dma2 semaphore(%arg20 : memref<!tpu.dma_semaphore, #tpu.memory_space<semaphore_mem>>) src(%dma_wait3A_824 : memref<8192xf32, #tpu.memory_space<vmem>>) dst(%dma_wait3A_822 : memref<8192xf32, #tpu.memory_space<hbm>>)
    %dma_wait3A_825 = arith.constant 24576 : i32
    %dma_wait3A_826 = tpu.memref_slice %arg9[%dma_wait3A_825] : memref<32768xf32, #tpu.memory_space<vmem>> -> memref<8192xf32, #tpu.memory_space<vmem>>
    %dma_wait3A_827 = tpu.memref_slice %arg5[%add3A_800] : memref<1048576xf32, #tpu.memory_space<hbm>> -> memref<8192xf32, #tpu.memory_space<hbm>>
    %dma_wait3A_828 = tpu.memref_slice %arg5[%add3A_800] : memref<1048576xf32, #tpu.memory_space<hbm>> -> memref<8192xf32, #tpu.memory_space<hbm>>
    %dma_wait3A_829 = arith.constant 24576 : i32
    %dma_wait3A_830 = tpu.memref_slice %arg9[%dma_wait3A_829] : memref<32768xf32, #tpu.memory_space<vmem>> -> memref<8192xf32, #tpu.memory_space<vmem>>
    tpu.wait_dma2 semaphore(%arg21 : memref<!tpu.dma_semaphore, #tpu.memory_space<semaphore_mem>>) src(%dma_wait3A_830 : memref<8192xf32, #tpu.memory_space<vmem>>) dst(%dma_wait3A_828 : memref<8192xf32, #tpu.memory_space<hbm>>)
    return
  }
}

</mosaic_0001>

<sc_bundles>
// kernel: kernel.3.cloned.1.call-start
scs
__scs_entry_jumppad:
0x0: {  	(pc) =	sbr.rel $0x88, $3  }
0x1: {  	(tag) =	ssettag $0x0;
	lr =	simm.s32 $0x1  }
0x2: {  	[smem:$0x3F9E] =	sst lr;
	_ =	strace $0xD0000000  }
0x3: {  	_ = 	snop  }
0x4: {  	_ = 	snop  }
0x5: {  	_ = 	snop  }
0x6: {  	_ = 	snop  }
0x7: {  	_ = 	snop  }
__scs_overlays_trampoline_lowered:
0x8: {  	[smem:$0x3FAD] =	sst s0  }
0x9: {  	[smem:$0x3FAE] =	sst s1  }
0xa: {  	[smem:$0x3FAF] =	sst s2  }
0xb: {  	[smem:$0x3FB0] =	sst s3  }
0xc: {  	[smem:$0x3FB1] =	sst s4  }
0xd: {  	[smem:$0x3FB2] =	sst s5  }
0xe: {  	[smem:$0x3FB3] =	sst s6  }
0xf: {  	[smem:$0x3FB4] =	sst s7  }
0x10: {  	[smem:$0x3FB5] =	sst s8  }
0x11: {  	[smem:$0x3FB6] =	sst s9;
	s0 =	simm.s32 @!p0 $0x0  }
0x12: {  	s1 =	sld [smem:$0x3F9C];
	s0 =	simm.s32 @p0 $0x1  }
0x13: {  	[smem:$0x3FB7] =	sst s0;
	s0 =	simm.s32 @!p1 $0x0  }
0x14: {  	s2 =	sld [smem:$0x3F9B];
	s0 =	simm.s32 @p1 $0x1  }
0x15: {  	[smem:$0x3FB8] =	sst s0;
	s0 =	simm.s32 @!p2 $0x0  }
0x16: {  	s3 =	sld [smem:$0x3FDB];
	s0 =	simm.s32 @p2 $0x1  }
0x17: {  	s4 =	simm.s32 $0x1BF5;
	[smem:$0x3FBA] =	sst s0  }
0x18: {  	s0 =	sld [smem:$0x3F9D];
	_ =	swait.ge [sflag:s4], $0x0  }
0x19: {  	s7 =	sld [smem:$0x3F9E]  }
0x1a: {  	s8 =	sadd.s32 $0xFFFFE003, lr  }
0x1b: {  	s9 =	sadd.s32 $0xFFFFFEF7, lr;
	s5 =	simm.s32 $0xFFFFFFFF;
	p2 =	slt.u32 s8, $0xFFFFF086  }
0x1c: {  	p1 =	slt.u32 s9, $0xF7A;
	s5 =	simm.s32 @!p2 $0x0  }
0x1d: {  	s5 =	simm.s32 @p1 $0x1;
	p0 =	seq.s32 s7, s2  }
0x1e: {  	s7 =	smul.u32 @!p0 $0xF7A, s2;
	p2 =	seq.s32 @!p0 s5, $0x0  }
0x1f: {  	s9 =	smul.u32 $0xF7A, s1;
	s8 =	simm.s32 @!p0 $0x1BF5;
	p2 =	por !p2, p0  }
0x20: {  	[sflag:s8] =	ssyncset.s32 @!p0 $0xFFFFF086;
	s6 =	sadd.s32 @!p0 s3, s7;
	s7 =	simm.s32 @!p0 $0x108  }
0x21: {  	s3 =	sadd.s32 s3, s9;
	s6 =	sadd.s32 @!p0 $0x88, s6;
	s7 =	simm.s32 @p2 $0x1082  }
0x22: {  	[simem:s7], [sflag:s8] =	dma.local @!p0 [hbm:s6], $0xF7A  }
0x23: {  	s9 =	sor.u32 $0xD0000000, s2;
	s6 =	simm.s32 $0x108;
	_ =	swait.ge @!p0 [sflag:s8], $0x0  }
0x24: {  	s3 =	sadd.s32 $0x88, s3;
	s6 =	simm.s32 @!p1 $0x1082;
	[sflag:s4] =	ssyncset.s32 $0xFFFFF086  }
0x25: {  	[simem:s6], [sflag:s4] =	dma.local [hbm:s3], $0xF7A  }
0x26: {  	[smem:$0x3F9E] =	sst s1;
	(tag) =	ssettag s2;
	_ =	strace s9  }
0x27: {  	s1 =	sld [smem:$0x3FAE]  }
0x28: {  	s2 =	sld [smem:$0x3FAF]  }
0x29: {  	s4 =	sld [smem:$0x3FB1]  }
0x2a: {  	p0 =	seq.s32 s5, $0x0;
	s5 =	sld [smem:$0x3FB2]  }
0x2b: {  	s6 =	sld [smem:$0x3FB3]  }
0x2c: {  	s7 =	sld [smem:$0x3FB4]  }
0x2d: {  	s3 =	simm.s32 $0x108;
	s8 =	sld [smem:$0x3FB5]  }
0x2e: {  	s3 =	simm.s32 @!p0 $0x1082;
	s9 =	sld [smem:$0x3FB6]  }
0x2f: {  	lr =	sadd.s32 s0, s3;
	s0 =	sld [smem:$0x3FAD]  }
0x30: {  	s3 =	sld [smem:$0x3FB0]  }
0x31: {  	[smem:$0x3FB9] =	sst s10  }
0x32: {  	s10 =	sld [smem:$0x3FB7];
	_ =	sdelay $0x3  }
0x33: {  	p0 =	seq.s32 s10, $0x1;
	s10 =	sld [smem:$0x3FB9];
	_ =	sdelay $0x3  }
0x34: {  	[smem:$0x3FB9] =	sst s10  }
0x35: {  	s10 =	sld [smem:$0x3FB8];
	_ =	sdelay $0x3  }
0x36: {  	p1 =	seq.s32 s10, $0x1;
	s10 =	sld [smem:$0x3FB9];
	_ =	sdelay $0x3  }
0x37: {  	[smem:$0x3FB9] =	sst s10  }
0x38: {  	s10 =	sld [smem:$0x3FBA]  }
0x39: {  	_ = 	snop;
	(pc) =	sbr.ind lr, $3  }
0x3a: {  	_ = 	snop  }
0x3b: {  	_ = 	snop  }
0x3c: {  	p2 =	seq.s32 s10, $0x1;
	s10 =	sld [smem:$0x3FB9]  }
0x3d: {  	_ =	shalt  }
0x3e: {  	_ =	shalt  }
0x3f: {  	_ =	shalt  }
0x40: {  	_ =	shalt  }
0x41: {  	_ =	shalt  }
0x42: {  	_ =	shalt  }
0x43: {  	_ =	shalt  }
0x44: {  	_ =	shalt  }
0x45: {  	_ =	shalt  }
0x46: {  	_ =	shalt  }
0x47: {  	_ =	shalt  }
0x48: {  	_ =	shalt  }
0x49: {  	_ =	shalt  }
0x4a: {  	_ =	shalt  }
0x4b: {  	_ =	shalt  }
0x4c: {  	_ =	shalt  }
0x4d: {  	_ =	shalt  }
0x4e: {  	_ =	shalt  }
0x4f: {  	_ =	shalt  }
0x50: {  	_ =	shalt  }
0x51: {  	_ =	shalt  }
0x52: {  	_ =	shalt  }
0x53: {  	_ =	shalt  }
0x54: {  	_ =	shalt  }
0x55: {  	_ =	shalt  }
0x56: {  	_ =	shalt  }
0x57: {  	_ =	shalt  }
0x58: {  	_ =	shalt  }
0x59: {  	_ =	shalt  }
0x5a: {  	_ =	shalt  }
0x5b: {  	_ =	shalt  }
0x5c: {  	_ =	shalt  }
0x5d: {  	_ =	shalt  }
0x5e: {  	_ =	shalt  }
0x5f: {  	_ =	shalt  }
0x60: {  	_ =	shalt  }
0x61: {  	_ =	shalt  }
0x62: {  	_ =	shalt  }
0x63: {  	_ =	shalt  }
0x64: {  	_ =	shalt  }
0x65: {  	_ =	shalt  }
0x66: {  	_ =	shalt  }
0x67: {  	_ =	shalt  }
0x68: {  	_ =	shalt  }
0x69: {  	_ =	shalt  }
0x6a: {  	_ =	shalt  }
0x6b: {  	_ =	shalt  }
0x6c: {  	_ =	shalt  }
0x6d: {  	_ =	shalt  }
0x6e: {  	_ =	shalt  }
0x6f: {  	_ =	shalt  }
0x70: {  	_ =	shalt  }
0x71: {  	_ =	shalt  }
0x72: {  	_ =	shalt  }
0x73: {  	_ =	shalt  }
0x74: {  	_ =	shalt  }
0x75: {  	_ =	shalt  }
0x76: {  	_ =	shalt  }
0x77: {  	_ =	shalt  }
0x78: {  	_ =	shalt  }
0x79: {  	_ =	shalt  }
0x7a: {  	_ =	shalt  }
0x7b: {  	_ =	shalt  }
0x7c: {  	_ =	shalt  }
0x7d: {  	_ =	shalt  }
0x7e: {  	_ =	shalt  }
0x7f: {  	_ =	shalt  }
0x80: {  	_ =	shalt  }
0x81: {  	_ =	shalt  }
0x82: {  	_ =	shalt  }
0x83: {  	_ =	shalt  }
0x84: {  	_ =	shalt  }
0x85: {  	_ =	shalt  }
0x86: {  	_ =	shalt  }
0x87: {  	_ =	shalt  }
.Lfunc_end0:
.L_simem_size_0:
called_computation_lowered:
.L_overlay_start_0:
0x88: {  	s2 =	sld [smem:$0x3FD9]  }
0x89: {  	s3 =	sld [smem:$0x3FFE];
	_ =	sdelay $0x1  }
0x8a: {  	s1 =	srdreg.scid  }
0x8b: {  	s0 =	sand.u32 $0x1, s1  }
0x8c: {  	s17 =	sshll.u32 s0, $0xA;
	s2 =	sadd.s32 s3, s2  }
0x8d: {  	s2 =	sadd.s32 s2, s17  }
0x8e: {  	[smem:$0x3FC5] =	sst s2  }
0x8f: {  	_ = 	snop  }
0x90: {  	s2 =	sld [smem:$0x3FD0];
	(tm) =	ssettm $0x1  }
0x91: {  	s18 =	sld [smem:$0x3FFB];
	_ =	sdelay $0x3  }
0x92: {  	_ =	strace s18  }
0x93: {  	s3 =	sld [smem:$0x3FFC];
	_ =	sdelay $0x3  }
0x94: {  	_ =	strace s3  }
0x95: {  	s3 =	sld [smem:$0x3FFD];
	_ =	sdelay $0x3  }
0x96: {  	_ =	strace s3  }
0x97: {  	_ =	strace $0x8FFFFFFF  }
0x98: {  	s19 =	sld [smem:$0x3FDB];
	_ =	sdelay $0x1  }
0x99: {  	s4 =	simm.s32 $_scs_section_size  }
0x9a: {  	s5 =	simm.s32 $_size__tile_overlayer_lowered;
	s6 =	simm.s32 $_tile_overlayer_lowered  }
0x9b: {  	s22 =	simm.s32 $0x1BFF;
	s21 =	sshll.u32 s6, $0x1;
	s3 =	sadd.s32 s4, s19  }
0x9c: {  	s7 =	simm.s32 $0x0;
	s20 =	sshll.u32 s5, $0x1;
	s5 =	sadd.s32 s21, s3  }
0x9d: {  	[timem:s7], [sflag:s22] =	dma.local [hbm:s5], s20  }
0x9e: {  	_ =	swait.ge [sflag:s22], s20  }
0x9f: {  	s4 =	ssub.s32 $0x0, s20;
	[sflag:s22] =	ssyncset.done $0x0  }
0xa0: {  	[sflag:s22] =	ssyncadd.s32 s4;
	_ =	sdelay $0x1  }
0xa1: {  	s23 =	simm.s32 $0x1B8B  }
0xa2: {  	_ =	swait.ge [sflag:s23], $0x1  }
0xa3: {  	[sflag:s23] =	ssyncset.done $0x0  }
0xa4: {  	s25 =	simm.s32 $0x1B8E;
	s24 =	sld [smem:$0x3FFE];
	[sflag:s23] =	ssyncadd.s32 $0xFFFFFFFF  }
0xa5: {  	s26 =	simm.s32 $execute0_lowered;
	[smem:$0x3FD2] =	sst s25  }
0xa6: {  	s5 =	sshll.u32 s26, $0x1;
	_ =	strace $0x80000046;
	[dreg:$0x1] =	wrdreg $0xFFFFFFFF  }
0xa7: {  	s28 =	simm.s32 $_size_execute0_lowered;
	s3 =	sadd.s32 s3, s5;
	[dreg:$0x0] =	wrdreg $0x0  }
0xa8: {  	s5 =	sshll.u32 s28, $0x1;
	[dreg:$0x2] =	wrdreg s3  }
0xa9: {  	[dreg:$0x3] =	wrdreg s5  }
0xaa: {  	[dreg:$0x4] =	wrdreg $0xC0  }
0xab: {  	_ =	task [dreg:s7], $0x5FFFF  }
0xac: {  	[dreg:$0x1] =	wrdreg $0xFFFFFFFF  }
0xad: {  	[dreg:$0x0] =	wrdreg $0x60  }
0xae: {  	[dreg:$0x2] =	wrdreg s2  }
0xaf: {  	[dreg:$0x3] =	wrdreg s24  }
0xb0: {  	[dreg:$0x4] =	wrdreg $0x9  }
0xb1: {  	_ =	task.clear_ibuf [dreg:s7], $0x5FFFF;
	_ =	strace $0x90000046  }
0xb2: {  	s29 =	simm.s32 $0x9;
	_ =	strace $0x80000048  }
0xb3: {  	_ =	swait.ge [sflag:s29], $0x1  }
0xb4: {  	[sflag:s29] =	ssyncadd.s32 $0xFFFFFFFF  }
0xb5: {  	_ =	strace $0x90000048  }
0xb6: {  	_ =	sfence  }
0xb7: {  	s30 =	sld [smem:$0x0];
	_ =	sdelay $0x2  }
0xb8: {  	s31 =	sshll.u32 s1, $0xD;
	s1 =	sshrl.u32 s1, $0x2  }
0xb9: {  	s3 =	sand.u32 $0x4000, s31;
	s1 =	sadd.s32 s1, s30  }
0xba: {  	s0 =	sor.u32 s3, s0;
	s1 =	sshll.u32 s1, $0x11  }
0xbb: {  	s0 =	sor.u32 s1, s0  }
0xbc: {  	s0 =	sadd.s32 $0x8F2B, s0  }
0xbd: {  	[sflag:s0] =	ssyncadd.remote.s32 $0x1  }
0xbe: {  	_ =	sfence.sel $0xFFFF  }
0xbf: {  	[dreg:$0x0] =	wrdreg $0xFFFFFFFF;
	(pc) =	sbr.abs _section_cstart, $3  }
0xc0: {  	[dreg:$0x1] =	wrdreg $0xFFFFFFFF  }
0xc1: {  	_ =	task.clear_ibuf [dreg:s7], $0x2FFFF;
	_ =	strace $0x9FFFFFFF  }
0xc2: {  	(tm) =	ssettm $0x7FFFFFFF  }
0xc3: {  	_ =	shalt  }
tec
execute0_lowered:
.L_overlay_start_1:
0x0: {  	(tag) =	ssettag $0x1  }
0x1: {  	vm2 =	vcmask $0x300;
	v0 =	vimm.f32 $-1.500000000e+01  }
0x2: {  	vm1 =	vcmask $0x704;
	vm0 =	vcmask $0xB08;
	vm3 =	vcmask $0x700  }
0x3: {  	v1 =	vimm.s32 $0x2;
	v2 =	vimm.s32 $0x12;
	vm8 =	vcmask $0xB00  }
0x4: {  	v22 =	vimm.s32 $0x3;
	v23 =	vimm.s32 $0x13;
	vm9 =	vcmask $0xF00  }
0x5: {  	v33 =	vimm.s32 $0x4;
	vm4 =	vcmask $0x1300;
	v34 =	vimm.s32 $0x5  }
0x6: {  	v36 =	vimm.s32 $0x15;
	vm10 =	vcmask $0x1700;
	v37 =	vimm.s32 $0x6  }
0x7: {  	v38 =	vimm.s32 $0x14;
	v39 =	vimm.s32 $0x16;
	vm11 =	vcmask $0x1B00  }
0x8: {  	v40 =	vimm.s32 $0x7;
	v41 =	vimm.s32 $0x94939291;
	v3 =	vimm.s32 $0x17  }
0x9: {  	v42 =	vimm.s32 $0x98979695;
	v43 =	vimm.s32 $0x9C9B9A99;
	vm12 =	vcmask $0x1F10  }
0xa: {  	vm13 =	vcmask $0xF0C;
	vm14 =	vcmask $0x2F20;
	vm15 =	vcmask $0x1310  }
0xb: {  	v47 =	vimm.s32 $0x1;
	v48 =	vimm.s32 $0x11;
	v50 =	vimm.f32 $-1.400000000e+01  }
0xc: {  	v51 =	vimm.f32 $-1.300000000e+01;
	v4 =	vimm.f32 $-1.200000000e+01;
	v5 =	vimm.f32 $-1.100000000e+01  }
0xd: {  	v6 =	vimm.f32 $-1.000000000e+01;
	v7 =	vimm.f32 $-9.000000000e+00;
	v8 =	vimm.f32 $-8.000000000e+00  }
0xe: {  	v9 =	vimm.f32 $-7.000000000e+00;
	v10 =	vimm.f32 $-6.000000000e+00;
	vm6 =	vcmask $0x1714  }
0xf: {  	vm7 =	vcmask $0x1B18;
	v11 =	vlaneseq.u32;
	v0 =	vsel vm2, $0x80000000, v0  }
0x10: {  	v1 =	vsel vm3, $0x1, v1;
	v21 =	vsel vm3, $0x11, v2;
	v32 =	vsel vm8, $0x12, v23  }
0x11: {  	v35 =	vsel vm4, $0x4, v34;
	v2 =	vsel vm9, $0x13, v38;
	v3 =	vsel vm11, $0x16, v3  }
0x12: {  	v49 =	vsel vm2, $0x10, v48;
	v4 =	vsel vm2, $0xC1600000, v4;
	v5 =	vsel vm2, $0xC1500000, v5  }
0x13: {  	v6 =	vsel vm2, $0xC1400000, v6;
	v7 =	vsel vm2, $0xC1300000, v7;
	v8 =	vsel vm2, $0xC1200000, v8  }
0x14: {  	v9 =	vsel vm2, $0xC1100000, v9;
	v10 =	vsel vm2, $0xC1000000, v10;
	v26 =	vand.u32 $0x7, v11  }
0x15: {  	v61 =	vor.u32 $0x8, v11;
	v62 =	vadd.s32 $0x1, v11;
	v63 =	vadd.s32 $0x11, v11;
	[tilespmem:$0x1FE50] =	vst v1  }
0x16: {  	v31 =	vadd.s32 $0x21, v11;
	v34 =	vadd.s32 $0x51, v11;
	v0 =	vsel vm1, $0xBF800000, v0;
	[tilespmem:$0x1FEE0] =	vst v2  }
0x17: {  	v1 =	vsel vm8, $0x2, v22;
	[tilespmem:$0x1FF00] =	vst v3;
	v2 =	vunpack.c.0.s8.s32 v42;
	v3 =	vunpack.c.0.s8.s32 v43  }
0x18: {  	v4 =	vsel vm1, $0xC1700000, v4;
	v5 =	vsel vm1, $0xC1600000, v5;
	v6 =	vsel vm1, $0xC1500000, v6  }
0x19: {  	[tilespmem:$0x1FE80] =	vst v32;
	v7 =	vsel vm1, $0xC1400000, v7;
	v8 =	vsel vm1, $0xC1300000, v8;
	v9 =	vsel vm1, $0xC1200000, v9  }
0x1a: {  	[tilespmem:$0x1FEA0] =	vst v35;
	v10 =	vsel vm1, $0xC1100000, v10;
	vm8 =	vcmask $0x1F1C;
	v32 =	vadd.s32 $0x31, v11  }
0x1b: {  	v35 =	vadd.s32 $0x61, v11;
	v0 =	vsel vm0, $0xC0000000, v0;
	[tilespmem:$0x1FE70] =	vst v1;
	v1 =	vsel vm9, $0x3, v33  }
0x1c: {  	v4 =	vsel vm0, $0xC1800000, v4;
	v5 =	vsel vm0, $0xC1700000, v5;
	v6 =	vsel vm0, $0xC1600000, v6  }
0x1d: {  	v7 =	vsel vm0, $0xC1500000, v7;
	v8 =	vsel vm0, $0xC1400000, v8;
	v9 =	vsel vm0, $0xC1300000, v9  }
0x1e: {  	v10 =	vsel vm0, $0xC1200000, v10;
	v33 =	vadd.s32 $0x41, v11;
	[tilespmem:$0x1FE90] =	vst v1;
	v1 =	vsel vm4, $0x14, v36  }
0x1f: {  	v44 =	vsel vm13, $0xC0400000, v0;
	v4 =	vsel vm13, $0x80000000, v4;
	v5 =	vsel vm13, $0xC1800000, v5  }
0x20: {  	v6 =	vsel vm13, $0xC1700000, v6;
	v7 =	vsel vm13, $0xC1600000, v7;
	v8 =	vsel vm13, $0xC1500000, v8  }
0x21: {  	v9 =	vsel vm13, $0xC1400000, v9;
	v10 =	vsel vm13, $0xC1300000, v10;
	[tilespmem:$0x1FEB0] =	vst v1;
	v1 =	vsel vm10, $0x5, v37  }
0x22: {  	v46 =	vsel vm15, $0xC0800000, v44;
	v4 =	vsel vm15, $0xBF800000, v4;
	v5 =	vsel vm15, $0x80000000, v5  }
0x23: {  	v6 =	vsel vm15, $0xC1800000, v6;
	v7 =	vsel vm15, $0xC1700000, v7;
	v8 =	vsel vm15, $0xC1600000, v8  }
0x24: {  	v9 =	vsel vm15, $0xC1500000, v9;
	v10 =	vsel vm15, $0xC1400000, v10;
	[tilespmem:$0x1FEC0] =	vst v1;
	v1 =	vsel vm10, $0x15, v39  }
0x25: {  	v4 =	vsel vm6, $0xC0000000, v4;
	v5 =	vsel vm6, $0xBF800000, v5;
	v6 =	vsel vm6, $0x80000000, v6  }
0x26: {  	v7 =	vsel vm6, $0xC1800000, v7;
	v8 =	vsel vm6, $0xC1700000, v8;
	v9 =	vsel vm6, $0xC1600000, v9  }
0x27: {  	v10 =	vsel vm6, $0xC1500000, v10;
	vm10 =	vcmask $0x2724;
	[tilespmem:$0x1FED0] =	vst v1;
	v1 =	vsel vm11, $0x6, v40  }
0x28: {  	v4 =	vsel vm7, $0xC0400000, v4;
	v5 =	vsel vm7, $0xC0000000, v5;
	v6 =	vsel vm7, $0xBF800000, v6  }
0x29: {  	v7 =	vsel vm7, $0x80000000, v7;
	v8 =	vsel vm7, $0xC1800000, v8;
	v9 =	vsel vm7, $0xC1700000, v9  }
0x2a: {  	v10 =	vsel vm7, $0xC1600000, v10;
	vm11 =	vcmask $0x2B28;
	[tilespmem:$0x1FEF0] =	vst v1;
	v1 =	vunpack.c.0.s8.s32 v41  }
0x2b: {  	v4 =	vsel vm8, $0xC0800000, v4;
	v5 =	vsel vm8, $0xC0400000, v5;
	v6 =	vsel vm8, $0xC0000000, v6  }
0x2c: {  	v7 =	vsel vm8, $0xBF800000, v7;
	v8 =	vsel vm8, $0x80000000, v8;
	v9 =	vsel vm8, $0xC1800000, v9  }
0x2d: {  	v10 =	vsel vm8, $0xC1700000, v10;
	v1 =	vnsel vm9, $0x9F, v1;
	vm9 =	vcmask $0x2320  }
0x2e: {  	v1 =	vsel vm12, v2, v1;
	v2 =	vsel vm2, $0x0, v47;
	v4 =	vsel vm9, $0xC0A00000, v4  }
0x2f: {  	v5 =	vsel vm9, $0xC0800000, v5;
	v6 =	vsel vm9, $0xC0400000, v6;
	v7 =	vsel vm9, $0xC0000000, v7  }
0x30: {  	v8 =	vsel vm9, $0xBF800000, v8;
	v9 =	vsel vm9, $0x80000000, v9;
	v10 =	vsel vm9, $0xC1800000, v10  }
0x31: {  	vm12 =	vcmask $0x2F2C;
	v45 =	vsel vm14, v3, v1;
	[tilespmem:$0x1FF10] =	vst v2;
	v2 =	vsel vm2, $0xC1800000, v50  }
0x32: {  	v3 =	vsel vm2, $0xC1700000, v51;
	v1 =	vsel vm6, $0xC0A00000, v46;
	v4 =	vsel vm10, $0xC0C00000, v4  }
0x33: {  	v5 =	vsel vm10, $0xC0A00000, v5;
	v6 =	vsel vm10, $0xC0800000, v6;
	v7 =	vsel vm10, $0xC0400000, v7  }
0x34: {  	v8 =	vsel vm10, $0xC0000000, v8;
	v9 =	vsel vm10, $0xBF800000, v9;
	v10 =	vsel vm10, $0x80000000, v10  }
0x35: {  	vm14 =	vcmask $0x3734;
	v2 =	vsel vm1, $0x80000000, v2;
	v3 =	vsel vm1, $0xC1800000, v3  }
0x36: {  	v1 =	vsel vm7, $0xC0C00000, v1;
	v4 =	vsel vm11, $0xC0E00000, v4;
	v5 =	vsel vm11, $0xC0C00000, v5  }
0x37: {  	v6 =	vsel vm11, $0xC0A00000, v6;
	v7 =	vsel vm11, $0xC0800000, v7;
	v8 =	vsel vm11, $0xC0400000, v8  }
0x38: {  	v9 =	vsel vm11, $0xC0000000, v9;
	v10 =	vsel vm11, $0xBF800000, v10;
	v2 =	vsel vm0, $0xBF800000, v2  }
0x39: {  	v3 =	vsel vm0, $0x80000000, v3;
	v1 =	vsel vm8, $0xC0E00000, v1;
	v4 =	vsel vm12, $0xC1000000, v4  }
0x3a: {  	v5 =	vsel vm12, $0xC0E00000, v5;
	v6 =	vsel vm12, $0xC0C00000, v6;
	v7 =	vsel vm12, $0xC0A00000, v7  }
0x3b: {  	v8 =	vsel vm12, $0xC0800000, v8;
	v9 =	vsel vm12, $0xC0400000, v9;
	v10 =	vsel vm12, $0xC0000000, v10  }
0x3c: {  	v2 =	vsel vm13, $0xC0000000, v2;
	v3 =	vsel vm13, $0xBF800000, v3;
	v1 =	vsel vm9, $0xC1000000, v1  }
0x3d: {  	vm13 =	vcmask $0x3330;
	v2 =	vsel vm15, $0xC0400000, v2;
	v3 =	vsel vm15, $0xC0000000, v3  }
0x3e: {  	v1 =	vsel vm10, $0xC1100000, v1;
	v4 =	vsel vm13, $0xC1100000, v4;
	v5 =	vsel vm13, $0xC1000000, v5  }
0x3f: {  	v6 =	vsel vm13, $0xC0E00000, v6;
	v7 =	vsel vm13, $0xC0C00000, v7;
	v8 =	vsel vm13, $0xC0A00000, v8  }
0x40: {  	s0 =	rddreg [dreg:$0x0];
	v9 =	vsel vm13, $0xC0800000, v9;
	v10 =	vsel vm13, $0xC0400000, v10;
	vm15 =	vcmask $0x3B38  }
0x41: {  	s2 =	rddreg [dreg:$0x1];
	s1 =	simm.s32 $0x0;
	[tilespmem:$0x1FE60] =	vst v21;
	v2 =	vsel vm6, $0xC0800000, v2;
	v3 =	vsel vm6, $0xC0400000, v3;
	v1 =	vsel vm11, $0xC1200000, v1  }
0x42: {  	s4 =	srdreg.scid;
	[smem:$0x7FF] =	sst s1;
	[tilespmem:$0x1FF20] =	vst v49;
	v4 =	vsel vm14, $0xC1200000, v4;
	v5 =	vsel vm14, $0xC1100000, v5;
	v6 =	vsel vm14, $0xC1000000, v6  }
0x43: {  	s31 =	stileid.u32;
	s14 =	simm.s32 $0x80;
	_ =	strace $0x80000047;
	[tilespmem:$0x1FFD0] =	vst v61;
	v7 =	vsel vm14, $0xC0E00000, v7;
	v8 =	vsel vm14, $0xC0C00000, v8;
	v9 =	vsel vm14, $0xC0A00000, v9  }
0x44: {  	s19 =	simm.s32 $0x1;
	s20 =	simm.s32 $0x10180;
	s21 =	simm.s32 $0x2;
	[tilespmem:$0x1FFE0] =	vst v62;
	v10 =	vsel vm14, $0xC0800000, v10;
	v2 =	vsel vm7, $0xC0A00000, v2;
	v3 =	vsel vm7, $0xC0800000, v3  }
0x45: {  	s22 =	simm.s32 $0x10200;
	s23 =	simm.s32 $0x10300;
	s25 =	simm.s32 $0x3;
	[tilespmem:$0x1FFF0] =	vst v63;
	v1 =	vsel vm12, $0xC1300000, v1;
	v54 =	vsel vm15, $0xC1300000, v4;
	v55 =	vsel vm15, $0xC1200000, v5  }
0x46: {  	s28 =	simm.s32 $0x4;
	s30 =	simm.s32 $0x5;
	s15 =	simm.s32 $0x8;
	v56 =	vsel vm15, $0xC1100000, v6;
	v57 =	vsel vm15, $0xC1000000, v7;
	v2 =	vsel vm8, $0xC0C00000, v2;
	[tilespmem:$0x1FF60] =	vst v54  }
0x47: {  	s16 =	simm.s32 $0x9;
	s17 =	simm.s32 $0x0;
	s4 =	sand.u32 $0x1, s4;
	v58 =	vsel vm15, $0xC0E00000, v8;
	v3 =	vsel vm8, $0xC0A00000, v3;
	[tilespmem:$0x1FF70] =	vst v55;
	v2 =	vsel vm9, $0xC0E00000, v2  }
0x48: {  	s3 =	sadd.s32 $0x800, s2;
	s6 =	sshll.u32 s31, $0xD;
	s5 =	ssub.s32 $0x2, s4;
	v59 =	vsel vm15, $0xC0C00000, v9;
	[tilespmem:$0x1FF80] =	vst v56;
	v3 =	vsel vm9, $0xC0C00000, v3;
	v2 =	vsel vm10, $0xC1000000, v2  }
0x49: {  	s7 =	sshll.u32 s4, $0xC;
	s4 =	sadd.s32 $0xA00, s2;
	s8 =	sshrl.u32 s5, $0x1;
	v60 =	vsel vm15, $0xC0A00000, v10;
	[tilespmem:$0x1FF90] =	vst v57;
	v3 =	vsel vm10, $0xC0E00000, v3;
	v2 =	vsel vm11, $0xC1100000, v2  }
0x4a: {  	s2 =	sadd.s32 $0xC00, s2;
	s9 =	sor.u32 s7, s6;
	s13 =	ssub.s32 s5, s8;
	v1 =	vsel vm13, $0xC1400000, v1;
	[tilespmem:$0x1FFA0] =	vst v58;
	v3 =	vsel vm11, $0xC1000000, v3;
	v2 =	vsel vm12, $0xC1200000, v2  }
0x4b: {  	s5 =	sadd.s32 s0, s9;
	s10 =	sor.u32 $0x400, s9;
	s11 =	sor.u32 $0x800, s9;
	[tilespmem:$0x1FFB0] =	vst v59;
	v1 =	vsel vm14, $0xC1500000, v1;
	v3 =	vsel vm12, $0xC1100000, v3;
	v2 =	vsel vm13, $0xC1300000, v2  }
0x4c: {  	s12 =	sor.u32 $0xC00, s9;
	s9 =	sadd.s32 s2, s9;
	s6 =	sadd.s32 s0, s10;
	[tilespmem:$0x1FFC0] =	vst v60;
	v1 =	vsel vm15, $0xC1600000, v1;
	v3 =	vsel vm13, $0xC1200000, v3;
	v2 =	vsel vm14, $0xC1400000, v2  }
0x4d: {  	s7 =	sadd.s32 s0, s11;
	s8 =	sadd.s32 s0, s12;
	s10 =	sadd.s32 s2, s10;
	v0 =	vsel vm13, $0x9D, v45;
	[tilespmem:$0x1FF30] =	vst v1;
	v3 =	vsel vm14, $0xC1300000, v3;
	v52 =	vsel vm15, $0xC1500000, v2  }
0x4e: {  	s11 =	sadd.s32 s2, s11;
	s12 =	sadd.s32 s2, s12;
	s13 =	smax.u32 s13, $0x1;
	v39 =	vmul.u32 $0x11, v26;
	v0 =	vsel vm14, $0x9E, v0;
	v53 =	vsel vm15, $0xC1400000, v3;
	[tilespmem:$0x1FF40] =	vst v52  }
0x4f: {  	v36 =	vadd.s32 $0x71, v11;
	s0 =	simm.s32 $0x6;
	s2 =	simm.s32 $0x7;
	v37 =	vadd.s32 $0x81, v11;
	[dreg:$0x3] =	wrdreg s3;
	v38 =	vand.u32 $0xFF, v0;
	[tilespmem:$0x1FF50] =	vst v53  }
.LBB2_1:
0x50: {  	s3 =	rddreg [dreg:$0x3]  }
0x51: {  	[tilespmem:s1], [sflag:$0x1] =	stream.linear.gather [hbm4b:s3+s1], $0x80, $0x38;
	[tilespmem:$0x10400] =	vst v63  }
0x52: {  	_ = 	snop  }
0x53: {  	[tilespmem:s14], [sflag:$0x1] =	stream.linear.gather [hbm4b:s4+s1], $0x100, $0x38;
	[tilespmem:$0x10400] =	vst v63  }
0x54: {  	s18 =	simm.s32 $0x180  }
0x55: {  	[tilespmem:s18], [sflag:$0x2] =	stream.linear.gather [hbm4b:s5+s1], $0x2000, $0x38;
	[tilespmem:$0x10400] =	vst v63  }
0x56: {  	s24 =	simm.s32 $0x2180  }
0x57: {  	[tilespmem:s24], [sflag:$0x3] =	stream.linear.gather [hbm4b:s6+s1], $0x2000, $0x38;
	[tilespmem:$0x10400] =	vst v63  }
0x58: {  	s26 =	simm.s32 $0x4180  }
0x59: {  	[tilespmem:s26], [sflag:$0x4] =	stream.linear.gather [hbm4b:s7+s1], $0x2000, $0x38;
	[tilespmem:$0x10400] =	vst v63  }
0x5a: {  	s18 =	simm.s32 $0x6180  }
0x5b: {  	[tilespmem:s18], [sflag:$0x5] =	stream.linear.gather [hbm4b:s8+s1], $0x2000, $0x38;
	[tilespmem:$0x10400] =	vst v63  }
0x5c: {  	_ =	swait.ge [sflag:s19], $0x80  }
0x5d: {  	[sflag:s19] =	ssyncset.done $0x0  }
0x5e: {  	[sflag:s19] =	ssyncadd.s32 $0xFFFFFF80  }
0x5f: {  	_ =	swait.ge [sflag:s19], $0x100  }
0x60: {  	v1 =	vld [tilespmem:$0x1FFD0];
	_ =	sdelay $0x4  }
0x61: {  	[sflag:s19] =	ssyncset.done $0x0  }
0x62: {  	[sflag:s19] =	ssyncadd.s32 $0xFFFFFF00  }
0x63: {  	v0 =	vld.idx.msk [tilespmem:v26+s1+$0x0], $0xffff  }
0x64: {  	v1 =	vld.idx.msk [tilespmem:v1+s1+$0x0], $0xffff;
	_ =	sdelay $0x4  }
0x65: {  	v2 =	vmin.f32 v0, v1;
	v0 =	vmax.f32 v0, v1  }
0x66: {  	v0 =	vsub.f32 v0, v2;
	_ =	sdelay $0x1  }
0x67: {  	(erf) = vrcp.f32 v0;
	_ =	sdelay $0x6  }
0x68: {  	v1 =	vld [tilespmem:$0x1FFE0];
	_ =	sdelay $0x1  }
0x69: {  	v0 =	vpop (erf)  }
0x6a: {  	v40 =	vmul.f32 $1.600000000e+01, v0;
	v0 =	vsub.f32 $0.0e+00, v2  }
0x6b: {  	v2 =	vimm.s32 $0x10  }
0x6c: {  	v41 =	vmul.f32 v40, v0  }
0x6d: {  	v4 =	vld [tilespmem:$0x1FF30];
	[tilespmem:$0x10180] =	vst v40  }
0x6e: {  	v0 =	vld [tilespmem:$0x80];
	[tilespmem:$0x10190] =	vst v41  }
0x6f: {  	v1 =	vld.idx.msk [tilespmem:v1+s14+$0x0], $0xffff  }
0x70: {  	v2 =	vld.idx.msk [tilespmem:v2+s20+$0x0], $0xffff;
	_ =	sdelay $0x1  }
0x71: {  	v3 =	vld.msk [tilespmem:s20+$0x0], $0xffff;
	_ =	sdelay $0x2  }
0x72: {  	v1 =	vsub.f32 v1, v0;
	v2 =	vadd.f32 v4, v2;
	_ =	sdelay $0x1  }
0x73: {  	v2 =	vmul.f32 v2, v1;
	v1 =	vmul.f32 v1, v3;
	_ =	sdelay $0x1  }
0x74: {  	[tilespmem:$0x10200] =	vst v1;
	v1 =	vld [tilespmem:$0x1FFF0]  }
0x75: {  	v0 =	vadd.f32 v2, v0;
	v2 =	vld [tilespmem:$0x1FF20];
	_ =	sdelay $0x3  }
0x76: {  	v4 =	vld [tilespmem:$0x1FF40]  }
0x77: {  	v3 =	vld [tilespmem:$0x1FF10]  }
0x78: {  	[tilespmem:$0x10300] =	vst v0;
	v0 =	vld [tilespmem:$0x90]  }
0x79: {  	v1 =	vld.idx.msk [tilespmem:v1+s14+$0x0], $0xffff  }
0x7a: {  	v2 =	vld.idx.msk [tilespmem:v2+s20+$0x0], $0xffff;
	_ =	sdelay $0x4  }
0x7b: {  	v1 =	vsub.f32 v1, v0;
	v2 =	vadd.f32 v4, v2;
	_ =	sdelay $0x1  }
0x7c: {  	v3 =	vld.idx.msk [tilespmem:v3+s20+$0x0], $0xffff;
	v2 =	vmul.f32 v2, v1;
	_ =	sdelay $0x1  }
0x7d: {  	v0 =	vadd.f32 v2, v0;
	v2 =	vld [tilespmem:$0x1FE60];
	_ =	sdelay $0x2  }
0x7e: {  	v1 =	vmul.f32 v1, v3  }
0x7f: {  	v4 =	vld [tilespmem:$0x1FF50]  }
0x80: {  	v3 =	vld [tilespmem:$0x1FE50];
	[tilespmem:$0x10210] =	vst v1  }
0x81: {  	[tilespmem:$0x10310] =	vst v0;
	v0 =	vld [tilespmem:$0xA0]  }
0x82: {  	v1 =	vld.idx.msk [tilespmem:v31+s14+$0x0], $0xffff  }
0x83: {  	v2 =	vld.idx.msk [tilespmem:v2+s20+$0x0], $0xffff;
	_ =	sdelay $0x4  }
0x84: {  	v1 =	vsub.f32 v1, v0;
	v2 =	vadd.f32 v4, v2;
	_ =	sdelay $0x1  }
0x85: {  	v3 =	vld.idx.msk [tilespmem:v3+s20+$0x0], $0xffff;
	v2 =	vmul.f32 v2, v1;
	_ =	sdelay $0x1  }
0x86: {  	v0 =	vadd.f32 v2, v0;
	v2 =	vld [tilespmem:$0x1FE80];
	_ =	sdelay $0x2  }
0x87: {  	v1 =	vmul.f32 v1, v3  }
0x88: {  	v4 =	vld [tilespmem:$0x1FF60]  }
0x89: {  	v3 =	vld [tilespmem:$0x1FE70];
	[tilespmem:$0x10220] =	vst v1  }
0x8a: {  	[tilespmem:$0x10320] =	vst v0;
	v0 =	vld [tilespmem:$0xB0]  }
0x8b: {  	v1 =	vld.idx.msk [tilespmem:v32+s14+$0x0], $0xffff  }
0x8c: {  	v2 =	vld.idx.msk [tilespmem:v2+s20+$0x0], $0xffff;
	_ =	sdelay $0x4  }
0x8d: {  	v1 =	vsub.f32 v1, v0;
	v2 =	vadd.f32 v4, v2;
	_ =	sdelay $0x1  }
0x8e: {  	v3 =	vld.idx.msk [tilespmem:v3+s20+$0x0], $0xffff;
	v2 =	vmul.f32 v2, v1;
	_ =	sdelay $0x1  }
0x8f: {  	v0 =	vadd.f32 v2, v0;
	v2 =	vld [tilespmem:$0x1FEE0];
	_ =	sdelay $0x2  }
0x90: {  	v1 =	vmul.f32 v1, v3  }
0x91: {  	v4 =	vld [tilespmem:$0x1FF70]  }
0x92: {  	v3 =	vld [tilespmem:$0x1FE90];
	[tilespmem:$0x10230] =	vst v1  }
0x93: {  	[tilespmem:$0x10330] =	vst v0;
	v0 =	vld [tilespmem:$0xC0]  }
0x94: {  	v1 =	vld.idx.msk [tilespmem:v33+s14+$0x0], $0xffff  }
0x95: {  	v2 =	vld.idx.msk [tilespmem:v2+s20+$0x0], $0xffff;
	_ =	sdelay $0x4  }
0x96: {  	v1 =	vsub.f32 v1, v0;
	v2 =	vadd.f32 v4, v2;
	_ =	sdelay $0x1  }
0x97: {  	v3 =	vld.idx.msk [tilespmem:v3+s20+$0x0], $0xffff;
	v2 =	vmul.f32 v2, v1;
	_ =	sdelay $0x1  }
0x98: {  	v0 =	vadd.f32 v2, v0;
	v2 =	vld [tilespmem:$0x1FEB0];
	_ =	sdelay $0x2  }
0x99: {  	v1 =	vmul.f32 v1, v3  }
0x9a: {  	v4 =	vld [tilespmem:$0x1FF80]  }
0x9b: {  	v3 =	vld [tilespmem:$0x1FEA0];
	[tilespmem:$0x10240] =	vst v1  }
0x9c: {  	[tilespmem:$0x10340] =	vst v0;
	v0 =	vld [tilespmem:$0xD0]  }
0x9d: {  	v1 =	vld.idx.msk [tilespmem:v34+s14+$0x0], $0xffff  }
0x9e: {  	v2 =	vld.idx.msk [tilespmem:v2+s20+$0x0], $0xffff;
	_ =	sdelay $0x4  }
0x9f: {  	v1 =	vsub.f32 v1, v0;
	v2 =	vadd.f32 v4, v2;
	_ =	sdelay $0x1  }
0xa0: {  	v3 =	vld.idx.msk [tilespmem:v3+s20+$0x0], $0xffff;
	v2 =	vmul.f32 v2, v1;
	_ =	sdelay $0x1  }
0xa1: {  	v0 =	vadd.f32 v2, v0;
	v2 =	vld [tilespmem:$0x1FED0];
	_ =	sdelay $0x2  }
0xa2: {  	v1 =	vmul.f32 v1, v3  }
0xa3: {  	v4 =	vld [tilespmem:$0x1FF90]  }
0xa4: {  	v3 =	vld [tilespmem:$0x1FEC0];
	[tilespmem:$0x10250] =	vst v1  }
0xa5: {  	[tilespmem:$0x10350] =	vst v0;
	v0 =	vld [tilespmem:$0xE0]  }
0xa6: {  	v1 =	vld.idx.msk [tilespmem:v35+s14+$0x0], $0xffff  }
0xa7: {  	v2 =	vld.idx.msk [tilespmem:v2+s20+$0x0], $0xffff;
	_ =	sdelay $0x4  }
0xa8: {  	v1 =	vsub.f32 v1, v0;
	v2 =	vadd.f32 v4, v2;
	_ =	sdelay $0x1  }
0xa9: {  	v3 =	vld.idx.msk [tilespmem:v3+s20+$0x0], $0xffff;
	v2 =	vmul.f32 v2, v1;
	_ =	sdelay $0x1  }
0xaa: {  	v0 =	vadd.f32 v2, v0;
	v2 =	vld [tilespmem:$0x1FF00];
	_ =	sdelay $0x2  }
0xab: {  	v1 =	vmul.f32 v1, v3;
	v3 =	vld [tilespmem:$0x1FEF0];
	_ =	sdelay $0x1  }
0xac: {  	v4 =	vld [tilespmem:$0x1FFA0];
	[tilespmem:$0x10260] =	vst v1  }
0xad: {  	[tilespmem:$0x10360] =	vst v0;
	v0 =	vld [tilespmem:$0xF0]  }
0xae: {  	v1 =	vld.idx.msk [tilespmem:v36+s14+$0x0], $0xffff  }
0xaf: {  	v2 =	vld.idx.msk [tilespmem:v2+s20+$0x0], $0xffff;
	_ =	sdelay $0x2  }
0xb0: {  	v3 =	vld.idx.msk [tilespmem:v3+s20+$0x0], $0xffff;
	_ =	sdelay $0x1  }
0xb1: {  	v1 =	vsub.f32 v1, v0;
	v2 =	vadd.f32 v4, v2;
	_ =	sdelay $0x1  }
0xb2: {  	v2 =	vmul.f32 v2, v1  }
0xb3: {  	v5 =	vimm.s32 $0x17;
	v1 =	vmul.f32 v1, v3  }
0xb4: {  	v0 =	vadd.f32 v2, v0  }
0xb5: {  	v6 =	vld [tilespmem:$0x1FFB0];
	[tilespmem:$0x10270] =	vst v1  }
0xb6: {  	v4 =	vimm.s32 $0x7;
	[tilespmem:$0x10370] =	vst v0;
	v0 =	vld [tilespmem:$0x100]  }
0xb7: {  	v1 =	vld.idx.msk [tilespmem:v37+s14+$0x0], $0xffff  }
0xb8: {  	v2 =	vld.idx.msk [tilespmem:v5+s20+$0x0], $0xffff;
	_ =	sdelay $0x2  }
0xb9: {  	v3 =	vld.idx.msk [tilespmem:v4+s20+$0x0], $0xffff;
	_ =	sdelay $0x1  }
0xba: {  	v1 =	vsub.f32 v1, v0;
	v2 =	vadd.f32 v6, v2;
	_ =	sdelay $0x1  }
0xbb: {  	v2 =	vmul.f32 v2, v1  }
0xbc: {  	v1 =	vmul.f32 v1, v3  }
0xbd: {  	v0 =	vadd.f32 v2, v0  }
0xbe: {  	[tilespmem:$0x10280] =	vst v1  }
0xbf: {  	[tilespmem:$0x10380] =	vst v0;
	v0 =	vld [tilespmem:$0x110]  }
0xc0: {  	v1 =	vld.idx.msk [tilespmem:v38+s14+$0x0], $0xffff  }
0xc1: {  	v2 =	vld.idx.msk [tilespmem:v5+s20+$0x0], $0xffff  }
0xc2: {  	v3 =	vld.idx.msk [tilespmem:v4+s20+$0x0], $0xffff  }
0xc3: {  	v4 =	vld [tilespmem:$0x1FFC0];
	_ =	sdelay $0x4  }
0xc4: {  	v1 =	vsub.f32 v1, v0;
	v2 =	vadd.f32 v4, v2;
	_ =	sdelay $0x1  }
0xc5: {  	v2 =	vmul.f32 v2, v1  }
0xc6: {  	v1 =	vmul.f32 v1, v3  }
0xc7: {  	v0 =	vadd.f32 v2, v0  }
0xc8: {  	[tilespmem:$0x10290] =	vst v1  }
0xc9: {  	[tilespmem:$0x10390] =	vst v0  }
0xca: {  	_ =	swait.ge [sflag:s21], $0x2000  }
0xcb: {  	[sflag:s21] =	ssyncset.done $0x0  }
0xcc: {  	s18 =	simm.s32 $0x1C0;
	[sflag:s21] =	ssyncadd.s32 $0xFFFFE000  }
0xcd: {  	v5 =	vld [tilespmem:s18+$0x30]  }
0xce: {  	v29 =	vld [tilespmem:s18+$0xFFFFFFD0]  }
0xcf: {  	v49 =	vld [tilespmem:s18+$0xFFFFFFE0]  }
0xd0: {  	v2 =	vld [tilespmem:s18+$0xFFFFFFF0]  }
0xd1: {  	v3 =	vld [tilespmem:s18+$0x0]  }
0xd2: {  	v0 =	vld [tilespmem:s18+$0x10]  }
0xd3: {  	v4 =	vld [tilespmem:s18+$0xFFFFFFC0]  }
0xd4: {  	s24 =	simm.s32 $0x240;
	v1 =	vld [tilespmem:s18+$0x20]  }
0xd5: {  	v42 =	vld [tilespmem:s24+$0xFFFFFFE0]  }
0xd6: {  	v43 =	vld [tilespmem:s24+$0xFFFFFFF0]  }
0xd7: {  	v46 =	vld [tilespmem:s24+$0x0]  }
0xd8: {  	v45 =	vld [tilespmem:s24+$0x10];
	v6 =	vmul.f32 v5, v40;
	v7 =	vmul.f32 v29, v40  }
0xd9: {  	v53 =	vld [tilespmem:s24+$0xFFFFFFC0];
	v8 =	vmul.f32 v49, v40;
	v9 =	vmul.f32 v2, v40  }
0xda: {  	s26 =	simm.s32 $0x2C0;
	v47 =	vld [tilespmem:s24+$0x20];
	v10 =	vmul.f32 v3, v40;
	v11 =	vmul.f32 v0, v40  }
0xdb: {  	v58 =	vld [tilespmem:s26+$0x30];
	v12 =	vmul.f32 v4, v40;
	v13 =	vmul.f32 v1, v40  }
0xdc: {  	v16 =	vmul.f32 v42, v40;
	v48 =	vmul.f32 v43, v40  }
0xdd: {  	v50 =	vmul.f32 v46, v40;
	v51 =	vmul.f32 v45, v40;
	v6 =	vadd.f32 v6, v41  }
0xde: {  	v52 =	vmul.f32 v53, v40;
	v7 =	vadd.f32 v7, v41;
	v8 =	vadd.f32 v8, v41  }
0xdf: {  	v54 =	vmul.f32 v47, v40;
	v9 =	vadd.f32 v9, v41;
	v10 =	vadd.f32 v10, v41  }
0xe0: {  	v55 =	vmul.f32 v58, v40;
	v12 =	vadd.f32 v12, v41;
	v13 =	vadd.f32 v13, v41  }
0xe1: {  	v48 =	vadd.f32 v48, v41;
	v6 =	vtrunc.f32 v6;
	v7 =	vtrunc.f32 v7  }
0xe2: {  	v50 =	vadd.f32 v50, v41;
	v8 =	vtrunc.f32 v8;
	v9 =	vtrunc.f32 v9  }
0xe3: {  	v51 =	vadd.f32 v51, v41;
	v10 =	vtrunc.f32 v10;
	v12 =	vtrunc.f32 v12  }
0xe4: {  	v54 =	vadd.f32 v54, v41;
	v13 =	vtrunc.f32 v13;
	v6 =	vcvt.f32.s32 v6  }
0xe5: {  	v55 =	vadd.f32 v55, v41;
	v48 =	vtrunc.f32 v48;
	v50 =	vtrunc.f32 v50  }
0xe6: {  	v51 =	vtrunc.f32 v51;
	v54 =	vtrunc.f32 v54;
	vm0 =	vgt.s32 v6, $0x0  }
0xe7: {  	v55 =	vtrunc.f32 v55;
	v12 =	vcvt.f32.s32 v12;
	v6 =	vnsel vm0, $0x0, v6  }
0xe8: {  	v7 =	vcvt.f32.s32 v7;
	v8 =	vcvt.f32.s32 v8;
	v6 =	vmin.u32 v6, $0xF  }
0xe9: {  	v9 =	vcvt.f32.s32 v9;
	v10 =	vcvt.f32.s32 v10;
	v6 =	vadd.s32 v39, v6  }
0xea: {  	v11 =	vadd.f32 v11, v41;
	v13 =	vcvt.f32.s32 v13;
	v48 =	vcvt.f32.s32 v48  }
0xeb: {  	v16 =	vadd.f32 v16, v41;
	v50 =	vcvt.f32.s32 v50;
	v51 =	vcvt.f32.s32 v51  }
0xec: {  	v52 =	vadd.f32 v52, v41;
	v54 =	vcvt.f32.s32 v54;
	v55 =	vcvt.f32.s32 v55  }
0xed: {  	vm15 =	vgt.s32 v12, $0x0;
	vm1 =	vgt.s32 v7, $0x0;
	vm2 =	vgt.s32 v8, $0x0  }
0xee: {  	vm3 =	vgt.s32 v9, $0x0;
	vm4 =	vgt.s32 v10, $0x0;
	vm8 =	vgt.s32 v13, $0x0;
	v14 =	vld.idx.msk [tilespmem:v6+s22+$0x0], $0xffff  }
0xef: {  	v15 =	vld [tilespmem:s24+$0x30];
	vm13 =	vgt.s32 v48, $0x0;
	vm14 =	vgt.s32 v50, $0x0;
	vm7 =	vgt.s32 v54, $0x0  }
0xf0: {  	v12 =	vnsel vm15, $0x0, v12;
	v7 =	vnsel vm1, $0x0, v7;
	v8 =	vnsel vm2, $0x0, v8;
	v6 =	vld.idx.msk [tilespmem:v6+s23+$0x0], $0xffff  }
0xf1: {  	v9 =	vnsel vm3, $0x0, v9;
	v10 =	vnsel vm4, $0x0, v10;
	v13 =	vnsel vm8, $0x0, v13  }
0xf2: {  	vm15 =	vgt.s32 v51, $0x0;
	v48 =	vnsel vm13, $0x0, v48;
	v50 =	vnsel vm14, $0x0, v50  }
0xf3: {  	v54 =	vnsel vm7, $0x0, v54;
	vm8 =	vgt.s32 v55, $0x0;
	v5 =	vmul.f32 v14, v5  }
0xf4: {  	v12 =	vmin.u32 v12, $0xF;
	v7 =	vmin.u32 v7, $0xF;
	v8 =	vmin.u32 v8, $0xF  }
0xf5: {  	v9 =	vmin.u32 v9, $0xF;
	v6 =	vadd.f32 v6, v5;
	v5 =	vmul.f32 v15, v40  }
0xf6: {  	v44 =	vld [tilespmem:s24+$0xFFFFFFD0];
	v10 =	vmin.u32 v10, $0xF;
	v51 =	vnsel vm15, $0x0, v51;
	v48 =	vmin.u32 v48, $0xF  }
0xf7: {  	v19 =	vmin.u32 v54, $0xF;
	v54 =	vld [tilespmem:s26+$0xFFFFFFE0];
	v12 =	vadd.s32 v39, v12;
	v5 =	vadd.f32 v5, v41  }
0xf8: {  	v50 =	vmin.u32 v50, $0xF;
	v23 =	vnsel vm8, $0x0, v55;
	v55 =	vld [tilespmem:s26+$0xFFFFFFF0];
	v7 =	vadd.s32 v39, v7  }
0xf9: {  	v8 =	vadd.s32 v39, v8;
	v18 =	vmin.u32 v51, $0xF;
	v51 =	vld [tilespmem:s26+$0xFFFFFFD0];
	v5 =	vtrunc.f32 v5  }
0xfa: {  	v9 =	vadd.s32 v39, v9;
	v20 =	vadd.s32 v39, v48;
	v48 =	vld [tilespmem:s26+$0x0];
	v5 =	vcvt.f32.s32 v5  }
0xfb: {  	v13 =	vmin.u32 v13, $0xF;
	v10 =	vadd.s32 v39, v10;
	v22 =	vadd.s32 v39, v50;
	v50 =	vld [tilespmem:s26+$0x20]  }
0xfc: {  	v11 =	vtrunc.f32 v11;
	v13 =	vadd.s32 v39, v13;
	v56 =	vld.idx.msk [tilespmem:v12+s22+$0x0], $0xffff;
	vm9 =	vgt.s32 v5, $0x0  }
0xfd: {  	v11 =	vcvt.f32.s32 v11;
	v57 =	vld.idx.msk [tilespmem:v7+s22+$0x0], $0xffff;
	v5 =	vnsel vm9, $0x0, v5  }
0xfe: {  	v16 =	vtrunc.f32 v16;
	v52 =	vtrunc.f32 v52;
	v59 =	vld.idx.msk [tilespmem:v8+s22+$0x0], $0xffff;
	v5 =	vmin.u32 v5, $0xF  }
0xff: {  	v16 =	vcvt.f32.s32 v16;
	vm5 =	vgt.s32 v11, $0x0;
	v60 =	vld.idx.msk [tilespmem:v9+s22+$0x0], $0xffff;
	v5 =	vadd.s32 v39, v5  }
0x100: {  	v52 =	vcvt.f32.s32 v52;
	v11 =	vnsel vm5, $0x0, v11;
	v61 =	vld.idx.msk [tilespmem:v10+s22+$0x0], $0xffff  }
0x101: {  	vm12 =	vgt.s32 v16, $0x0;
	v11 =	vmin.u32 v11, $0xF;
	v63 =	vld.idx.msk [tilespmem:v13+s22+$0x0], $0xffff;
	v14 =	vmul.f32 v44, v40  }
0x102: {  	vm10 =	vgt.s32 v52, $0x0;
	v16 =	vnsel vm12, $0x0, v16;
	v11 =	vadd.s32 v39, v11;
	v12 =	vld.idx.msk [tilespmem:v12+s23+$0x0], $0xffff  }
0x103: {  	v52 =	vnsel vm10, $0x0, v52;
	v16 =	vmin.u32 v16, $0xF;
	v9 =	vld.idx.msk [tilespmem:v9+s23+$0x0], $0xffff;
	v14 =	vadd.f32 v14, v41  }
0x104: {  	v52 =	vmin.u32 v52, $0xF;
	v16 =	vadd.s32 v39, v16;
	v25 =	vmul.f32 v50, v40;
	v17 =	vld.idx.msk [tilespmem:v5+s22+$0x0], $0xffff  }
0x105: {  	v19 =	vadd.s32 v39, v19;
	v10 =	vld.idx.msk [tilespmem:v10+s23+$0x0], $0xffff;
	v4 =	vmul.f32 v56, v4;
	v14 =	vtrunc.f32 v14  }
0x106: {  	v18 =	vadd.s32 v39, v18;
	v2 =	vmul.f32 v60, v2;
	v14 =	vcvt.f32.s32 v14;
	v5 =	vld.idx.msk [tilespmem:v5+s23+$0x0], $0xffff  }
0x107: {  	v62 =	vld.idx.msk [tilespmem:v11+s22+$0x0], $0xffff;
	v3 =	vmul.f32 v61, v3;
	v56 =	vmul.f32 v63, v1;
	v4 =	vadd.f32 v12, v4  }
0x108: {  	v7 =	vld.idx.msk [tilespmem:v7+s23+$0x0], $0xffff;
	v12 =	vmul.f32 v51, v40;
	v2 =	vadd.f32 v9, v2;
	vm11 =	vgt.s32 v14, $0x0  }
0x109: {  	s18 =	simm.s32 $0x81C0;
	v8 =	vld.idx.msk [tilespmem:v8+s23+$0x0], $0xffff;
	v15 =	vmul.f32 v17, v15;
	v17 =	vadd.s32 v39, v52;
	v52 =	vmin.u32 v23, $0xF  }
0x10a: {  	v3 =	vadd.f32 v10, v3;
	[tilespmem:s18+$0xFFFFFFC0] =	vst v4;
	v4 =	vld.idx.msk [tilespmem:v16+s23+$0x0], $0xffff;
	v14 =	vnsel vm11, $0x0, v14;
	v21 =	vadd.s32 v39, v52  }
0x10b: {  	v52 =	vld [tilespmem:s26+$0xFFFFFFC0];
	v15 =	vadd.f32 v5, v15;
	v5 =	vmul.f32 v57, v29;
	v29 =	vmul.f32 v59, v49  }
0x10c: {  	v14 =	vmin.u32 v14, $0xF;
	v49 =	vld [tilespmem:s26+$0x10];
	v59 =	vmul.f32 v62, v0;
	v0 =	vmul.f32 v54, v40  }
0x10d: {  	v14 =	vadd.s32 v39, v14;
	v23 =	vadd.f32 v7, v5;
	v7 =	vld.idx.msk [tilespmem:v11+s23+$0x0], $0xffff;
	v11 =	vadd.f32 v12, v41  }
0x10e: {  	[tilespmem:s18+$0xFFFFFFF0] =	vst v2;
	v2 =	vld.idx.msk [tilespmem:v18+s23+$0x0], $0xffff;
	v12 =	vmul.f32 v55, v40;
	v0 =	vadd.f32 v0, v41  }
0x10f: {  	[tilespmem:s18+$0x0] =	vst v3;
	v3 =	vld.idx.msk [tilespmem:v19+s23+$0x0], $0xffff;
	v63 =	vadd.f32 v8, v29;
	v8 =	vmul.f32 v48, v40;
	v11 =	vtrunc.f32 v11  }
0x110: {  	v5 =	vld.idx.msk [tilespmem:v13+s23+$0x0], $0xffff;
	v12 =	vadd.f32 v12, v41;
	v61 =	vmul.f32 v52, v40;
	v27 =	vtrunc.f32 v0  }
0x111: {  	v1 =	vld.idx.msk [tilespmem:v21+s22+$0x0], $0xffff;
	v24 =	vadd.f32 v8, v41;
	v13 =	vmul.f32 v49, v40;
	v11 =	vcvt.f32.s32 v11  }
0x112: {  	v60 =	vld.idx.msk [tilespmem:v14+s22+$0x0], $0xffff;
	v27 =	vcvt.f32.s32 v27;
	v0 =	vadd.f32 v61, v41;
	v12 =	vtrunc.f32 v12  }
0x113: {  	[tilespmem:s18+$0x30] =	vst v6;
	v6 =	vld.idx.msk [tilespmem:v14+s23+$0x0], $0xffff;
	v24 =	vtrunc.f32 v24;
	v13 =	vadd.f32 v13, v41;
	vm10 =	vgt.s32 v11, $0x0  }
0x114: {  	s24 =	simm.s32 $0x8240;
	v62 =	vld.idx.msk [tilespmem:v20+s22+$0x0], $0xffff;
	v12 =	vcvt.f32.s32 v12;
	vm11 =	vgt.s32 v27, $0x0;
	v14 =	vnsel vm10, $0x0, v11  }
0x115: {  	v29 =	vld.idx.msk [tilespmem:v16+s22+$0x0], $0xffff;
	[tilespmem:s24+$0x30] =	vst v15;
	v15 =	vnsel vm11, $0x0, v27;
	v9 =	vtrunc.f32 v13;
	v13 =	vtrunc.f32 v0  }
0x116: {  	v57 =	vld.idx.msk [tilespmem:v17+s22+$0x0], $0xffff;
	v8 =	vmul.f32 v1, v58;
	v1 =	vadd.f32 v25, v41;
	v13 =	vcvt.f32.s32 v13  }
0x117: {  	v25 =	vadd.f32 v7, v59;
	v7 =	vld.idx.msk [tilespmem:v17+s23+$0x0], $0xffff;
	v17 =	vcvt.f32.s32 v24;
	v9 =	vcvt.f32.s32 v9  }
0x118: {  	v61 =	vld.idx.msk [tilespmem:v22+s22+$0x0], $0xffff;
	vm12 =	vgt.s32 v12, $0x0;
	v16 =	vmin.u32 v14, $0xF;
	vm9 =	vgt.s32 v13, $0x0  }
0x119: {  	v0 =	vld.idx.msk [tilespmem:v18+s22+$0x0], $0xffff;
	v10 =	vtrunc.f32 v1;
	vm14 =	vgt.s32 v9, $0x0;
	v13 =	vnsel vm9, $0x0, v13  }
0x11a: {  	v10 =	vcvt.f32.s32 v10;
	v11 =	vmin.u32 v13, $0xF;
	v13 =	vnsel vm14, $0x0, v9;
	v9 =	vld.idx.msk [tilespmem:v21+s23+$0x0], $0xffff  }
0x11b: {  	[tilespmem:s18+$0xFFFFFFE0] =	vst v63;
	v58 =	vld.idx.msk [tilespmem:v20+s23+$0x0], $0xffff;
	v63 =	vnsel vm12, $0x0, v12;
	v12 =	vmin.u32 v15, $0xF;
	vm13 =	vgt.s32 v17, $0x0  }
0x11c: {  	[tilespmem:s18+$0xFFFFFFD0] =	vst v23;
	v59 =	vld.idx.msk [tilespmem:v22+s23+$0x0], $0xffff;
	v15 =	vmin.u32 v63, $0xF;
	v17 =	vnsel vm13, $0x0, v17;
	vm15 =	vgt.s32 v10, $0x0  }
0x11d: {  	s29 =	simm.s32 $0x100;
	s31 =	simm.s32 $0x340;
	s26 =	simm.s32 $0x8240;
	v1 =	vld.idx.msk [tilespmem:v19+s22+$0x0], $0xffff;
	[tilespmem:s18+$0x10] =	vst v25;
	v14 =	vmin.u32 v17, $0xF;
	v10 =	vnsel vm15, $0x0, v10;
	v13 =	vmin.u32 v13, $0xF  }
.LBB2_2:
0x11e: {  	v63 =	vld [tilespmem:s31+$0x30];
	s29 =	sadd.s32 $0x80, s29;
	v11 =	vadd.s32 v39, v11;
	v16 =	vadd.s32 v39, v16;
	v10 =	vmin.u32 v10, $0xF  }
0x11f: {  	v12 =	vadd.s32 v39, v12;
	v15 =	vadd.s32 v39, v15;
	v17 =	vld [tilespmem:s31+$0xFFFFFFD0];
	p0 =	slt.u32 s29, $0x1F80;
	v9 =	vadd.f32 v9, v8  }
0x120: {  	v14 =	vadd.s32 v39, v14;
	v13 =	vadd.s32 v39, v13;
	s24 =	sadd.s32 $0x80, s24;
	v8 =	vadd.s32 v39, v10;
	v18 =	vld [tilespmem:s31+$0xFFFFFFE0]  }
0x121: {  	v19 =	vmul.f32 v60, v44;
	v5 =	vadd.f32 v5, v56;
	v10 =	vld [tilespmem:s31+$0xFFFFFFF0];
	[tilespmem:s24+$0x30] =	vst v9;
	v9 =	vmul.f32 v57, v53  }
0x122: {  	v21 =	vmul.f32 v29, v42;
	v22 =	vmul.f32 v62, v43;
	v44 =	vmovc v51;
	v42 =	vmovc v54;
	v43 =	vmov v55;
	v20 =	vld [tilespmem:s31+$0x0]  }
0x123: {  	v23 =	vld [tilespmem:s31+$0x10];
	v24 =	vmul.f32 v63, v40;
	v7 =	vadd.f32 v7, v9;
	v9 =	vmul.f32 v61, v46;
	[tilespmem:s18+$0x20] =	vst v5;
	s18 =	smov.u32 s26;
	s26 =	smov.u32 s24  }
0x124: {  	v6 =	vadd.f32 v6, v19;
	v19 =	vmul.f32 v0, v45;
	v5 =	vmul.f32 v17, v40;
	v25 =	vld [tilespmem:s31+$0x20];
	v51 =	vmovc v17  }
0x125: {  	v56 =	vmul.f32 v1, v47;
	v17 =	vld [tilespmem:s31+$0xFFFFFFC0];
	v0 =	vmul.f32 v18, v40;
	v24 =	vadd.f32 v24, v41;
	[tilespmem:s18+$0xFFFFFFC0] =	vst v7  }
0x126: {  	v4 =	vadd.f32 v4, v21;
	v1 =	vadd.f32 v5, v41;
	v5 =	vmul.f32 v10, v40;
	v57 =	vld.idx.msk [tilespmem:v11+s22+$0x0], $0xffff  }
0x127: {  	v0 =	vadd.f32 v0, v41;
	v7 =	vmul.f32 v20, v40;
	v21 =	vtrunc.f32 v24;
	v60 =	vld.idx.msk [tilespmem:v16+s22+$0x0], $0xffff;
	[tilespmem:s18+$0xFFFFFFD0] =	vst v6  }
0x128: {  	v5 =	vadd.f32 v5, v41;
	v6 =	vmul.f32 v23, v40;
	v21 =	vcvt.f32.s32 v21;
	v29 =	vld.idx.msk [tilespmem:v12+s22+$0x0], $0xffff;
	[tilespmem:s18+$0xFFFFFFE0] =	vst v4  }
0x129: {  	v54 =	vmovc v18;
	v4 =	vtrunc.f32 v1;
	v7 =	vadd.f32 v7, v41;
	v1 =	vmul.f32 v25, v40;
	v62 =	vld.idx.msk [tilespmem:v15+s22+$0x0], $0xffff  }
0x12a: {  	v55 =	vmovc v10;
	v18 =	vmul.f32 v17, v40;
	v6 =	vadd.f32 v6, v41;
	vm0 =	vgt.s32 v21, $0x0;
	v61 =	vld.idx.msk [tilespmem:v14+s22+$0x0], $0xffff  }
0x12b: {  	v46 =	vmovc v48;
	v48 =	vmovc v20;
	v10 =	vtrunc.f32 v0;
	v24 =	vadd.f32 v1, v41;
	v1 =	vnsel vm0, $0x0, v21;
	v0 =	vld.idx.msk [tilespmem:v13+s22+$0x0], $0xffff  }
0x12c: {  	v45 =	vmovc v49;
	v49 =	vmovc v23;
	v20 =	vtrunc.f32 v5;
	v18 =	vadd.f32 v18, v41;
	v5 =	vmin.u32 v1, $0xF;
	v1 =	vld.idx.msk [tilespmem:v8+s22+$0x0], $0xffff  }
0x12d: {  	v47 =	vmovc v50;
	v50 =	vmovc v25;
	v21 =	vtrunc.f32 v7;
	v23 =	vtrunc.f32 v6;
	v27 =	vadd.s32 v39, v5;
	v7 =	vld.idx.msk [tilespmem:v11+s23+$0x0], $0xffff  }
0x12e: {  	v53 =	vmovc v52;
	v52 =	vmovc v17;
	v11 =	vtrunc.f32 v24;
	v25 =	vtrunc.f32 v18;
	v6 =	vld.idx.msk [tilespmem:v16+s23+$0x0], $0xffff;
	v16 =	vadd.f32 v58, v22  }
0x12f: {  	v9 =	vadd.f32 v59, v9;
	v18 =	vcvt.f32.s32 v4;
	v17 =	vcvt.f32.s32 v25;
	v4 =	vld.idx.msk [tilespmem:v12+s23+$0x0], $0xffff;
	v5 =	vmovc v3  }
0x130: {  	v2 =	vadd.f32 v2, v19;
	v3 =	vcvt.f32.s32 v10;
	v10 =	vcvt.f32.s32 v20;
	v58 =	vld.idx.msk [tilespmem:v15+s23+$0x0], $0xffff;
	[tilespmem:s18+$0xFFFFFFF0] =	vst v16  }
0x131: {  	v12 =	vcvt.f32.s32 v21;
	v15 =	vcvt.f32.s32 v23;
	vm0 =	vgt.s32 v17, $0x0;
	v59 =	vld.idx.msk [tilespmem:v14+s23+$0x0], $0xffff;
	[tilespmem:s18+$0x0] =	vst v9  }
0x132: {  	vm1 =	vgt.s32 v18, $0x0;
	vm2 =	vgt.s32 v3, $0x0;
	v14 =	vcvt.f32.s32 v11;
	v19 =	vld.idx.msk [tilespmem:v27+s22+$0x0], $0xffff;
	[tilespmem:s18+$0x10] =	vst v2  }
0x133: {  	vm3 =	vgt.s32 v10, $0x0;
	vm4 =	vgt.s32 v12, $0x0;
	vm5 =	vgt.s32 v15, $0x0;
	v2 =	vld.idx.msk [tilespmem:v13+s23+$0x0], $0xffff  }
.Ltmp0:
0x134: {  	v11 =	vnsel vm0, $0x0, v17;
	v13 =	vnsel vm1, $0x0, v18;
	vm0 =	vgt.s32 v14, $0x0;
	v9 =	vld.idx.msk [tilespmem:v27+s23+$0x0], $0xffff;
	(pc) =	sbr.rel @p0 .LBB2_2-.Ltmp0, $4  }
0x135: {  	v17 =	vnsel vm2, $0x0, v3;
	v20 =	vnsel vm4, $0x0, v12;
	v18 =	vnsel vm3, $0x0, v10;
	v3 =	vld.idx.msk [tilespmem:v8+s23+$0x0], $0xffff  }
0x136: {  	v11 =	vmin.u32 v11, $0xF;
	v10 =	vnsel vm0, $0x0, v14;
	v8 =	vnsel vm5, $0x0, v15  }
0x137: {  	v12 =	vmin.u32 v17, $0xF;
	v16 =	vmin.u32 v13, $0xF;
	v15 =	vmin.u32 v18, $0xF  }
0x138: {  	s31 =	sadd.s32 $0x80, s31;
	v14 =	vmin.u32 v20, $0xF;
	v13 =	vmin.u32 v8, $0xF;
	v8 =	vmul.f32 v19, v63  }
0x139: {  	v11 =	vadd.s32 v39, v11  }
0x13a: {  	v16 =	vadd.s32 v39, v16  }
0x13b: {  	v12 =	vadd.s32 v39, v12  }
0x13c: {  	v15 =	vadd.s32 v39, v15  }
0x13d: {  	v14 =	vadd.s32 v39, v14  }
0x13e: {  	v13 =	vadd.s32 v39, v13;
	v17 =	vld.idx.msk [tilespmem:v11+s22+$0x0], $0xffff  }
0x13f: {  	v10 =	vmin.u32 v10, $0xF;
	v18 =	vld.idx.msk [tilespmem:v16+s22+$0x0], $0xffff  }
0x140: {  	v5 =	vadd.f32 v5, v56;
	v8 =	vadd.f32 v9, v8;
	v9 =	vmul.f32 v57, v53;
	v19 =	vld.idx.msk [tilespmem:v12+s22+$0x0], $0xffff  }
0x141: {  	v21 =	vmul.f32 v60, v44;
	v10 =	vadd.s32 v39, v10;
	v20 =	vld.idx.msk [tilespmem:v15+s22+$0x0], $0xffff  }
0x142: {  	s24 =	sadd.s32 $0x80, s24;
	[tilespmem:s18+$0x20] =	vst v5;
	v7 =	vadd.f32 v7, v9;
	v22 =	vld.idx.msk [tilespmem:v14+s22+$0x0], $0xffff  }
0x143: {  	v5 =	vadd.f32 v6, v21;
	[tilespmem:s24+$0x30] =	vst v8;
	v8 =	vmul.f32 v29, v42;
	v9 =	vld.idx.msk [tilespmem:v13+s22+$0x0], $0xffff  }
0x144: {  	v23 =	vmul.f32 v62, v43;
	[tilespmem:s26+$0xFFFFFFC0] =	vst v7;
	v7 =	vld.idx.msk [tilespmem:v11+s23+$0x0], $0xffff  }
0x145: {  	v53 =	vmul.f32 v61, v46;
	[tilespmem:s26+$0xFFFFFFD0] =	vst v5;
	v4 =	vadd.f32 v4, v8;
	v5 =	vld.idx.msk [tilespmem:v16+s23+$0x0], $0xffff  }
0x146: {  	v0 =	vmul.f32 v0, v45;
	v8 =	vadd.f32 v58, v23;
	v6 =	vld.idx.msk [tilespmem:v10+s22+$0x0], $0xffff  }
0x147: {  	v1 =	vmul.f32 v1, v47;
	v11 =	vadd.f32 v59, v53;
	[tilespmem:s26+$0xFFFFFFE0] =	vst v4;
	v4 =	vld.idx.msk [tilespmem:v12+s23+$0x0], $0xffff  }
0x148: {  	v0 =	vadd.f32 v2, v0;
	v12 =	vld.idx.msk [tilespmem:v15+s23+$0x0], $0xffff;
	[tilespmem:s26+$0xFFFFFFF0] =	vst v8;
	v2 =	vmul.f32 v17, v52  }
0x149: {  	v1 =	vadd.f32 v3, v1;
	v8 =	vld.idx.msk [tilespmem:v14+s23+$0x0], $0xffff;
	[tilespmem:s26+$0x0] =	vst v11;
	v11 =	vmul.f32 v18, v51  }
0x14a: {  	[tilespmem:s26+$0x10] =	vst v0;
	v0 =	vld.idx.msk [tilespmem:v13+s23+$0x0], $0xffff;
	v3 =	vmul.f32 v19, v54;
	v2 =	vadd.f32 v7, v2  }
0x14b: {  	[tilespmem:s26+$0x20] =	vst v1;
	v7 =	vld.idx.msk [tilespmem:v10+s23+$0x0], $0xffff;
	v10 =	vmul.f32 v20, v55;
	v1 =	vadd.f32 v5, v11  }
0x14c: {  	v5 =	vmul.f32 v22, v48;
	[tilespmem:s24+$0xFFFFFFC0] =	vst v2;
	v2 =	vadd.f32 v4, v3  }
0x14d: {  	v3 =	vmul.f32 v9, v49;
	[tilespmem:s24+$0xFFFFFFD0] =	vst v1;
	v1 =	vadd.f32 v12, v10  }
0x14e: {  	v4 =	vmul.f32 v6, v50;
	[tilespmem:s24+$0xFFFFFFE0] =	vst v2;
	v2 =	vadd.f32 v8, v5  }
0x14f: {  	[tilespmem:s24+$0xFFFFFFF0] =	vst v1;
	v0 =	vadd.f32 v0, v3  }
0x150: {  	v1 =	vadd.f32 v7, v4;
	[tilespmem:s24+$0x0] =	vst v2  }
0x151: {  	[tilespmem:s24+$0x10] =	vst v0  }
0x152: {  	s3 =	simm.s32 $0x8180;
	[tilespmem:s24+$0x20] =	vst v1  }
0x153: {  	[hbm4b:s9+s1] =	stream.linear.scatter [tilespmem:s3], [sflag:$0x6], $0x2000, $0x38;
	[tilespmem:$0x10400] =	vst v63  }
0x154: {  	_ =	swait.ge [sflag:s25], $0x2000  }
0x155: {  	[sflag:s25] =	ssyncset.done $0x0  }
0x156: {  	s3 =	simm.s32 $0x21F0;
	[sflag:s25] =	ssyncadd.s32 $0xFFFFE000  }
0x157: {  	v7 =	vld [tilespmem:s3+$0x0]  }
0x158: {  	v5 =	vld [tilespmem:s3+$0xFFFFFFA0]  }
0x159: {  	v3 =	vld [tilespmem:s3+$0xFFFFFFB0]  }
0x15a: {  	v4 =	vld [tilespmem:s3+$0xFFFFFFC0]  }
0x15b: {  	v2 =	vld [tilespmem:s3+$0xFFFFFFD0]  }
0x15c: {  	v0 =	vld [tilespmem:s3+$0xFFFFFFE0]  }
0x15d: {  	v6 =	vld [tilespmem:s3+$0xFFFFFF90]  }
0x15e: {  	s24 =	simm.s32 $0x2270;
	v1 =	vld [tilespmem:s3+$0xFFFFFFF0]  }
0x15f: {  	v44 =	vld [tilespmem:s24+$0xFFFFFFA0]  }
0x160: {  	v42 =	vld [tilespmem:s24+$0xFFFFFFB0]  }
0x161: {  	v43 =	vld [tilespmem:s24+$0xFFFFFFC0];
	v8 =	vmul.f32 v7, v40;
	v9 =	vmul.f32 v5, v40  }
0x162: {  	v46 =	vld [tilespmem:s24+$0xFFFFFFD0];
	v10 =	vmul.f32 v3, v40;
	v11 =	vmul.f32 v4, v40  }
0x163: {  	v45 =	vld [tilespmem:s24+$0xFFFFFFE0];
	v12 =	vmul.f32 v2, v40;
	v13 =	vmul.f32 v0, v40  }
0x164: {  	v53 =	vld [tilespmem:s24+$0xFFFFFF90];
	v14 =	vmul.f32 v6, v40;
	v15 =	vmul.f32 v1, v40  }
0x165: {  	v47 =	vld [tilespmem:s24+$0xFFFFFFF0];
	v18 =	vmul.f32 v44, v40;
	v19 =	vmul.f32 v42, v40;
	v8 =	vadd.f32 v8, v41  }
0x166: {  	v56 =	vmul.f32 v43, v40;
	v9 =	vadd.f32 v9, v41;
	v10 =	vadd.f32 v10, v41  }
0x167: {  	v57 =	vmul.f32 v46, v40;
	v11 =	vadd.f32 v11, v41;
	v12 =	vadd.f32 v12, v41  }
0x168: {  	v58 =	vmul.f32 v45, v40;
	v13 =	vadd.f32 v13, v41;
	v14 =	vadd.f32 v14, v41  }
0x169: {  	v59 =	vmul.f32 v53, v40;
	v15 =	vadd.f32 v15, v41;
	v18 =	vadd.f32 v18, v41  }
0x16a: {  	v24 =	vmul.f32 v47, v40;
	v19 =	vadd.f32 v19, v41;
	v20 =	vadd.f32 v56, v41  }
0x16b: {  	v21 =	vadd.f32 v57, v41;
	v8 =	vtrunc.f32 v8;
	v9 =	vtrunc.f32 v9  }
0x16c: {  	v22 =	vadd.f32 v58, v41;
	v10 =	vtrunc.f32 v10;
	v11 =	vtrunc.f32 v11  }
0x16d: {  	v23 =	vadd.f32 v59, v41;
	v12 =	vtrunc.f32 v12;
	v8 =	vcvt.f32.s32 v8  }
0x16e: {  	v24 =	vadd.f32 v24, v41;
	v14 =	vtrunc.f32 v14;
	v13 =	vtrunc.f32 v13  }
0x16f: {  	v15 =	vtrunc.f32 v15;
	v18 =	vtrunc.f32 v18;
	vm0 =	vgt.s32 v8, $0x0  }
0x170: {  	v19 =	vtrunc.f32 v19;
	v20 =	vtrunc.f32 v20;
	v8 =	vnsel vm0, $0x0, v8  }
0x171: {  	v21 =	vtrunc.f32 v21;
	v23 =	vtrunc.f32 v23;
	v8 =	vmin.u32 v8, $0xF  }
0x172: {  	v22 =	vtrunc.f32 v22;
	v24 =	vtrunc.f32 v24;
	v8 =	vadd.s32 v39, v8  }
0x173: {  	v14 =	vcvt.f32.s32 v14;
	v9 =	vcvt.f32.s32 v9  }
0x174: {  	v10 =	vcvt.f32.s32 v10;
	v11 =	vcvt.f32.s32 v11  }
0x175: {  	v12 =	vcvt.f32.s32 v12;
	v13 =	vcvt.f32.s32 v13  }
0x176: {  	v17 =	vld [tilespmem:s24+$0x0];
	v15 =	vcvt.f32.s32 v15;
	v23 =	vcvt.f32.s32 v23  }
0x177: {  	v18 =	vcvt.f32.s32 v18;
	v19 =	vcvt.f32.s32 v19;
	v16 =	vld.idx.msk [tilespmem:v8+s22+$0x0], $0xffff  }
0x178: {  	v20 =	vcvt.f32.s32 v20;
	v21 =	vcvt.f32.s32 v21  }
0x179: {  	v22 =	vcvt.f32.s32 v22;
	v24 =	vcvt.f32.s32 v24;
	vm15 =	vgt.s32 v14, $0x0  }
0x17a: {  	vm1 =	vgt.s32 v9, $0x0;
	vm2 =	vgt.s32 v10, $0x0;
	vm3 =	vgt.s32 v11, $0x0  }
0x17b: {  	vm4 =	vgt.s32 v12, $0x0;
	vm5 =	vgt.s32 v13, $0x0;
	vm8 =	vgt.s32 v15, $0x0  }
0x17c: {  	vm10 =	vgt.s32 v23, $0x0;
	v7 =	vmul.f32 v16, v7;
	v16 =	vmul.f32 v17, v40  }
0x17d: {  	s26 =	simm.s32 $0x22F0;
	vm11 =	vgt.s32 v18, $0x0;
	vm12 =	vgt.s32 v19, $0x0;
	vm13 =	vgt.s32 v20, $0x0  }
0x17e: {  	v28 =	vld [tilespmem:s26+$0x0];
	v14 =	vnsel vm15, $0x0, v14;
	v9 =	vnsel vm1, $0x0, v9;
	v16 =	vadd.f32 v16, v41  }
0x17f: {  	v51 =	vld [tilespmem:s26+$0xFFFFFFA0];
	v10 =	vnsel vm2, $0x0, v10;
	v11 =	vnsel vm3, $0x0, v11;
	v14 =	vmin.u32 v14, $0xF  }
0x180: {  	v54 =	vld [tilespmem:s26+$0xFFFFFFB0];
	v9 =	vmin.u32 v9, $0xF;
	v14 =	vadd.s32 v39, v14;
	v16 =	vtrunc.f32 v16  }
0x181: {  	v48 =	vld [tilespmem:s26+$0xFFFFFFD0];
	v10 =	vmin.u32 v10, $0xF;
	v9 =	vadd.s32 v39, v9;
	v16 =	vcvt.f32.s32 v16  }
0x182: {  	v50 =	vld [tilespmem:s26+$0xFFFFFFF0];
	v15 =	vnsel vm8, $0x0, v15;
	v11 =	vmin.u32 v11, $0xF;
	v10 =	vadd.s32 v39, v10  }
0x183: {  	v52 =	vld [tilespmem:s26+$0xFFFFFF90];
	v15 =	vmin.u32 v15, $0xF;
	v11 =	vadd.s32 v39, v11;
	vm9 =	vgt.s32 v16, $0x0  }
0x184: {  	vm14 =	vgt.s32 v21, $0x0;
	v15 =	vadd.s32 v39, v15;
	v8 =	vld.idx.msk [tilespmem:v8+s23+$0x0], $0xffff;
	v16 =	vnsel vm9, $0x0, v16  }
0x185: {  	vm7 =	vgt.s32 v24, $0x0;
	v12 =	vnsel vm4, $0x0, v12;
	v25 =	vld.idx.msk [tilespmem:v14+s22+$0x0], $0xffff;
	v16 =	vmin.u32 v16, $0xF  }
0x186: {  	v13 =	vnsel vm5, $0x0, v13;
	vm15 =	vgt.s32 v22, $0x0;
	v27 =	vld.idx.msk [tilespmem:v9+s22+$0x0], $0xffff;
	v16 =	vadd.s32 v39, v16  }
0x187: {  	v23 =	vnsel vm10, $0x0, v23;
	v18 =	vnsel vm11, $0x0, v18;
	v19 =	vnsel vm12, $0x0, v19;
	v29 =	vld.idx.msk [tilespmem:v10+s22+$0x0], $0xffff  }
0x188: {  	v20 =	vnsel vm13, $0x0, v20;
	v21 =	vnsel vm14, $0x0, v21;
	v13 =	vmin.u32 v13, $0xF;
	v60 =	vld.idx.msk [tilespmem:v11+s22+$0x0], $0xffff  }
0x189: {  	v24 =	vnsel vm7, $0x0, v24;
	v12 =	vmin.u32 v12, $0xF;
	v13 =	vadd.s32 v39, v13;
	v62 =	vld.idx.msk [tilespmem:v15+s22+$0x0], $0xffff  }
0x18a: {  	v23 =	vmin.u32 v23, $0xF;
	v22 =	vnsel vm15, $0x0, v22;
	v18 =	vmin.u32 v18, $0xF;
	v14 =	vld.idx.msk [tilespmem:v14+s23+$0x0], $0xffff  }
0x18b: {  	v19 =	vmin.u32 v19, $0xF;
	v20 =	vmin.u32 v20, $0xF;
	v12 =	vadd.s32 v39, v12;
	v63 =	vld.idx.msk [tilespmem:v16+s22+$0x0], $0xffff  }
0x18c: {  	v21 =	vmin.u32 v21, $0xF;
	v24 =	vmin.u32 v24, $0xF;
	v22 =	vmin.u32 v22, $0xF;
	v10 =	vld.idx.msk [tilespmem:v10+s23+$0x0], $0xffff  }
0x18d: {  	v23 =	vadd.s32 v39, v23;
	v18 =	vadd.s32 v39, v18;
	v6 =	vmul.f32 v25, v6;
	v16 =	vld.idx.msk [tilespmem:v16+s23+$0x0], $0xffff  }
0x18e: {  	v19 =	vadd.s32 v39, v19;
	v61 =	vld.idx.msk [tilespmem:v13+s22+$0x0], $0xffff;
	v5 =	vmul.f32 v27, v5;
	v3 =	vmul.f32 v29, v3  }
0x18f: {  	v20 =	vadd.s32 v39, v20;
	v9 =	vld.idx.msk [tilespmem:v9+s23+$0x0], $0xffff;
	v56 =	vmul.f32 v62, v1;
	v25 =	vmul.f32 v50, v40  }
0x190: {  	v27 =	vmul.f32 v52, v40;
	v7 =	vadd.f32 v8, v7;
	v8 =	vld.idx.msk [tilespmem:v12+s22+$0x0], $0xffff;
	v17 =	vmul.f32 v63, v17  }
0x191: {  	v1 =	vld.idx.msk [tilespmem:v12+s23+$0x0], $0xffff;
	v14 =	vadd.f32 v14, v6;
	v10 =	vadd.f32 v10, v3;
	v12 =	vmul.f32 v48, v40  }
0x192: {  	v55 =	vld [tilespmem:s26+$0xFFFFFFC0];
	v16 =	vadd.f32 v16, v17;
	v17 =	vadd.s32 v39, v21;
	v21 =	vadd.s32 v39, v22  }
0x193: {  	v22 =	vadd.s32 v39, v24;
	v24 =	vmul.f32 v60, v4;
	v4 =	vmul.f32 v28, v40  }
0x194: {  	v49 =	vld [tilespmem:s26+$0xFFFFFFE0];
	v6 =	vmul.f32 v51, v40;
	v25 =	vadd.f32 v25, v41;
	v27 =	vadd.f32 v27, v41  }
0x195: {  	v11 =	vld.idx.msk [tilespmem:v11+s23+$0x0], $0xffff;
	v12 =	vadd.f32 v12, v41;
	v2 =	vmul.f32 v8, v2;
	v4 =	vadd.f32 v4, v41  }
0x196: {  	v3 =	vld.idx.msk [tilespmem:v13+s23+$0x0], $0xffff;
	v8 =	vadd.f32 v9, v5;
	v5 =	vmul.f32 v61, v0;
	v0 =	vmul.f32 v54, v40  }
0x197: {  	v57 =	vld.idx.msk [tilespmem:v23+s22+$0x0], $0xffff;
	v6 =	vadd.f32 v6, v41;
	v9 =	vmul.f32 v55, v40;
	v13 =	vtrunc.f32 v4  }
0x198: {  	s18 =	simm.s32 $0xA1F0;
	v58 =	vld.idx.msk [tilespmem:v18+s22+$0x0], $0xffff;
	v12 =	vtrunc.f32 v12;
	v0 =	vadd.f32 v0, v41;
	v13 =	vcvt.f32.s32 v13  }
0x199: {  	v59 =	vld.idx.msk [tilespmem:v19+s22+$0x0], $0xffff;
	[tilespmem:s18+$0x0] =	vst v7;
	v6 =	vtrunc.f32 v6;
	v7 =	vcvt.f32.s32 v12;
	v9 =	vadd.f32 v9, v41  }
0x19a: {  	v60 =	vtrunc.f32 v0;
	v0 =	vld.idx.msk [tilespmem:v20+s22+$0x0], $0xffff;
	v11 =	vadd.f32 v11, v24;
	vm8 =	vgt.s32 v13, $0x0  }
0x19b: {  	v24 =	vtrunc.f32 v27;
	v27 =	vadd.f32 v3, v5;
	v5 =	vld.idx.msk [tilespmem:v18+s23+$0x0], $0xffff;
	v13 =	vnsel vm8, $0x0, v13  }
0x19c: {  	v2 =	vadd.f32 v1, v2;
	v9 =	vtrunc.f32 v9;
	v3 =	vld.idx.msk [tilespmem:v19+s23+$0x0], $0xffff;
	v13 =	vmin.u32 v13, $0xF  }
0x19d: {  	v1 =	vcvt.f32.s32 v24;
	v24 =	vcvt.f32.s32 v6;
	v6 =	vld.idx.msk [tilespmem:v23+s23+$0x0], $0xffff;
	v13 =	vadd.s32 v39, v13  }
0x19e: {  	v9 =	vcvt.f32.s32 v9;
	v4 =	vld.idx.msk [tilespmem:v15+s23+$0x0], $0xffff;
	v15 =	vmul.f32 v49, v40  }
0x19f: {  	v25 =	vtrunc.f32 v25;
	vm13 =	vgt.s32 v7, $0x0;
	v23 =	vcvt.f32.s32 v60;
	v60 =	vld.idx.msk [tilespmem:v20+s23+$0x0], $0xffff  }
0x1a0: {  	v7 =	vnsel vm13, $0x0, v7;
	vm12 =	vgt.s32 v9, $0x0;
	v29 =	vld.idx.msk [tilespmem:v17+s22+$0x0], $0xffff;
	v15 =	vadd.f32 v15, v41  }
0x1a1: {  	[tilespmem:s18+$0xFFFFFF90] =	vst v14;
	vm9 =	vgt.s32 v1, $0x0;
	vm10 =	vgt.s32 v24, $0x0;
	vm11 =	vgt.s32 v23, $0x0;
	v61 =	vld.idx.msk [tilespmem:v17+s23+$0x0], $0xffff  }
0x1a2: {  	s24 =	simm.s32 $0xA270;
	[tilespmem:s18+$0xFFFFFFB0] =	vst v10;
	v17 =	vnsel vm12, $0x0, v9;
	v14 =	vnsel vm9, $0x0, v1;
	v15 =	vtrunc.f32 v15;
	v18 =	vld.idx.msk [tilespmem:v13+s22+$0x0], $0xffff  }
0x1a3: {  	[tilespmem:s24+$0x0] =	vst v16;
	v62 =	vld.idx.msk [tilespmem:v21+s22+$0x0], $0xffff;
	v16 =	vnsel vm10, $0x0, v24;
	v12 =	vcvt.f32.s32 v15;
	v15 =	vcvt.f32.s32 v25  }
0x1a4: {  	[tilespmem:s18+$0xFFFFFFA0] =	vst v8;
	v19 =	vnsel vm11, $0x0, v23;
	v10 =	vmin.u32 v14, $0xF;
	v16 =	vmin.u32 v16, $0xF;
	v9 =	vld.idx.msk [tilespmem:v13+s23+$0x0], $0xffff  }
0x1a5: {  	[tilespmem:s18+$0xFFFFFFC0] =	vst v11;
	v63 =	vld.idx.msk [tilespmem:v22+s22+$0x0], $0xffff;
	v11 =	vmin.u32 v19, $0xF;
	vm14 =	vgt.s32 v12, $0x0;
	vm15 =	vgt.s32 v15, $0x0  }
0x1a6: {  	[tilespmem:s18+$0xFFFFFFD0] =	vst v2;
	v2 =	vld.idx.msk [tilespmem:v22+s23+$0x0], $0xffff;
	v14 =	vnsel vm14, $0x0, v12;
	v8 =	vnsel vm15, $0x0, v15;
	v12 =	vmin.u32 v17, $0xF  }
0x1a7: {  	s29 =	simm.s32 $0x2100;
	s31 =	simm.s32 $0x2370;
	s26 =	simm.s32 $0xA270;
	[tilespmem:s18+$0xFFFFFFE0] =	vst v27;
	v1 =	vld.idx.msk [tilespmem:v21+s23+$0x0], $0xffff;
	v15 =	vmin.u32 v7, $0xF;
	v13 =	vmin.u32 v14, $0xF;
	v14 =	vmul.f32 v18, v28  }
.LBB2_4:
0x1a8: {  	v7 =	vld [tilespmem:s31+$0x0];
	s29 =	sadd.s32 $0x80, s29;
	v10 =	vadd.s32 v39, v10;
	v16 =	vadd.s32 v39, v16;
	v8 =	vmin.u32 v8, $0xF  }
0x1a9: {  	v11 =	vadd.s32 v39, v11;
	v12 =	vadd.s32 v39, v12;
	v17 =	vld [tilespmem:s31+$0xFFFFFFA0];
	p0 =	slt.u32 s29, $0x3F80;
	v9 =	vadd.f32 v9, v14  }
0x1aa: {  	v15 =	vadd.s32 v39, v15;
	v13 =	vadd.s32 v39, v13;
	s24 =	sadd.s32 $0x80, s24;
	v8 =	vadd.s32 v39, v8;
	v14 =	vld [tilespmem:s31+$0xFFFFFFB0]  }
0x1ab: {  	v19 =	vmul.f32 v58, v44;
	v4 =	vadd.f32 v4, v56;
	v18 =	vld [tilespmem:s31+$0xFFFFFFC0];
	[tilespmem:s24+$0x0] =	vst v9;
	v9 =	vmul.f32 v57, v53  }
0x1ac: {  	v21 =	vmul.f32 v59, v42;
	v22 =	vmul.f32 v0, v43;
	v44 =	vmovc v51;
	v42 =	vmovc v54;
	v43 =	vmov v55;
	v20 =	vld [tilespmem:s31+$0xFFFFFFD0]  }
0x1ad: {  	v23 =	vld [tilespmem:s31+$0xFFFFFFE0];
	v0 =	vmul.f32 v7, v40;
	v6 =	vadd.f32 v6, v9;
	v9 =	vmul.f32 v29, v46;
	[tilespmem:s18+$0xFFFFFFF0] =	vst v4;
	s18 =	smov.u32 s26;
	s26 =	smov.u32 s24  }
0x1ae: {  	v5 =	vadd.f32 v5, v19;
	v19 =	vmul.f32 v62, v45;
	v4 =	vmul.f32 v17, v40;
	v24 =	vld [tilespmem:s31+$0xFFFFFFF0];
	v51 =	vmovc v17  }
0x1af: {  	v56 =	vmul.f32 v63, v47;
	v17 =	vld [tilespmem:s31+$0xFFFFFF90];
	v25 =	vmul.f32 v14, v40;
	v0 =	vadd.f32 v0, v41;
	[tilespmem:s18+$0xFFFFFF90] =	vst v6  }
0x1b0: {  	v3 =	vadd.f32 v3, v21;
	v4 =	vadd.f32 v4, v41;
	v6 =	vmul.f32 v18, v40;
	v57 =	vld.idx.msk [tilespmem:v10+s22+$0x0], $0xffff  }
0x1b1: {  	v21 =	vadd.f32 v25, v41;
	v25 =	vmul.f32 v20, v40;
	v0 =	vtrunc.f32 v0;
	v58 =	vld.idx.msk [tilespmem:v16+s22+$0x0], $0xffff;
	[tilespmem:s18+$0xFFFFFFA0] =	vst v5  }
0x1b2: {  	v5 =	vadd.f32 v6, v41;
	v6 =	vmul.f32 v23, v40;
	v27 =	vcvt.f32.s32 v0;
	v59 =	vld.idx.msk [tilespmem:v11+s22+$0x0], $0xffff;
	[tilespmem:s18+$0xFFFFFFB0] =	vst v3  }
0x1b3: {  	v54 =	vmovc v14;
	v3 =	vtrunc.f32 v4;
	v4 =	vadd.f32 v25, v41;
	v25 =	vmul.f32 v24, v40;
	v0 =	vld.idx.msk [tilespmem:v12+s22+$0x0], $0xffff  }
0x1b4: {  	v55 =	vmovc v18;
	v14 =	vmul.f32 v17, v40;
	v6 =	vadd.f32 v6, v41;
	vm0 =	vgt.s32 v27, $0x0;
	v29 =	vld.idx.msk [tilespmem:v15+s22+$0x0], $0xffff  }
0x1b5: {  	v46 =	vmovc v48;
	v48 =	vmovc v20;
	v18 =	vtrunc.f32 v21;
	v21 =	vadd.f32 v25, v41;
	v25 =	vnsel vm0, $0x0, v27;
	v62 =	vld.idx.msk [tilespmem:v13+s22+$0x0], $0xffff  }
0x1b6: {  	v45 =	vmovc v49;
	v49 =	vmovc v23;
	v20 =	vtrunc.f32 v5;
	v14 =	vadd.f32 v14, v41;
	v5 =	vmin.u32 v25, $0xF;
	v63 =	vld.idx.msk [tilespmem:v8+s22+$0x0], $0xffff  }
0x1b7: {  	v47 =	vmovc v50;
	v50 =	vmovc v24;
	v23 =	vtrunc.f32 v4;
	v25 =	vtrunc.f32 v6;
	v27 =	vadd.s32 v39, v5;
	v6 =	vld.idx.msk [tilespmem:v10+s23+$0x0], $0xffff  }
0x1b8: {  	v53 =	vmovc v52;
	v52 =	vmovc v17;
	v10 =	vtrunc.f32 v21;
	v24 =	vtrunc.f32 v14;
	v5 =	vld.idx.msk [tilespmem:v16+s23+$0x0], $0xffff;
	v14 =	vadd.f32 v60, v22  }
0x1b9: {  	v9 =	vadd.f32 v61, v9;
	v17 =	vcvt.f32.s32 v3;
	v4 =	vmovc v2;
	v16 =	vcvt.f32.s32 v24;
	v3 =	vld.idx.msk [tilespmem:v11+s23+$0x0], $0xffff  }
0x1ba: {  	v1 =	vadd.f32 v1, v19;
	v2 =	vcvt.f32.s32 v18;
	v11 =	vcvt.f32.s32 v20;
	v60 =	vld.idx.msk [tilespmem:v12+s23+$0x0], $0xffff;
	[tilespmem:s18+$0xFFFFFFC0] =	vst v14  }
0x1bb: {  	v12 =	vcvt.f32.s32 v23;
	v14 =	vcvt.f32.s32 v25;
	vm0 =	vgt.s32 v16, $0x0;
	v61 =	vld.idx.msk [tilespmem:v15+s23+$0x0], $0xffff;
	[tilespmem:s18+$0xFFFFFFD0] =	vst v9  }
0x1bc: {  	vm1 =	vgt.s32 v17, $0x0;
	vm2 =	vgt.s32 v2, $0x0;
	v15 =	vcvt.f32.s32 v10;
	v18 =	vld.idx.msk [tilespmem:v27+s22+$0x0], $0xffff;
	[tilespmem:s18+$0xFFFFFFE0] =	vst v1  }
0x1bd: {  	vm3 =	vgt.s32 v11, $0x0;
	vm4 =	vgt.s32 v12, $0x0;
	vm5 =	vgt.s32 v14, $0x0;
	v1 =	vld.idx.msk [tilespmem:v13+s23+$0x0], $0xffff  }
.Ltmp1:
0x1be: {  	v10 =	vnsel vm0, $0x0, v16;
	v13 =	vnsel vm1, $0x0, v17;
	vm0 =	vgt.s32 v15, $0x0;
	v9 =	vld.idx.msk [tilespmem:v27+s23+$0x0], $0xffff;
	(pc) =	sbr.rel @p0 .LBB2_4-.Ltmp1, $4  }
0x1bf: {  	v19 =	vnsel vm3, $0x0, v11;
	v17 =	vnsel vm2, $0x0, v2;
	v20 =	vnsel vm4, $0x0, v12;
	v2 =	vld.idx.msk [tilespmem:v8+s23+$0x0], $0xffff  }
0x1c0: {  	v10 =	vmin.u32 v10, $0xF;
	v14 =	vnsel vm5, $0x0, v14;
	v8 =	vnsel vm0, $0x0, v15  }
0x1c1: {  	v12 =	vmin.u32 v19, $0xF;
	v16 =	vmin.u32 v13, $0xF;
	v11 =	vmin.u32 v17, $0xF  }
0x1c2: {  	s31 =	sadd.s32 $0x80, s31;
	v13 =	vmin.u32 v14, $0xF;
	v15 =	vmin.u32 v20, $0xF;
	v14 =	vmul.f32 v18, v7  }
0x1c3: {  	v7 =	vadd.s32 v39, v10  }
0x1c4: {  	v10 =	vadd.s32 v39, v16  }
0x1c5: {  	v11 =	vadd.s32 v39, v11  }
0x1c6: {  	v12 =	vadd.s32 v39, v12  }
0x1c7: {  	v15 =	vadd.s32 v39, v15  }
0x1c8: {  	v13 =	vadd.s32 v39, v13;
	v16 =	vld.idx.msk [tilespmem:v7+s22+$0x0], $0xffff  }
0x1c9: {  	v8 =	vmin.u32 v8, $0xF;
	v17 =	vld.idx.msk [tilespmem:v10+s22+$0x0], $0xffff  }
0x1ca: {  	v4 =	vadd.f32 v4, v56;
	v9 =	vadd.f32 v9, v14;
	v14 =	vmul.f32 v57, v53;
	v18 =	vld.idx.msk [tilespmem:v11+s22+$0x0], $0xffff  }
0x1cb: {  	v20 =	vmul.f32 v58, v44;
	v8 =	vadd.s32 v39, v8;
	v19 =	vld.idx.msk [tilespmem:v12+s22+$0x0], $0xffff  }
0x1cc: {  	s24 =	sadd.s32 $0x80, s24;
	[tilespmem:s18+$0xFFFFFFF0] =	vst v4;
	v6 =	vadd.f32 v6, v14;
	v21 =	vld.idx.msk [tilespmem:v15+s22+$0x0], $0xffff  }
0x1cd: {  	v4 =	vadd.f32 v5, v20;
	[tilespmem:s24+$0x0] =	vst v9;
	v9 =	vmul.f32 v59, v42;
	v14 =	vld.idx.msk [tilespmem:v13+s22+$0x0], $0xffff  }
0x1ce: {  	v0 =	vmul.f32 v0, v43;
	[tilespmem:s26+$0xFFFFFF90] =	vst v6;
	v6 =	vld.idx.msk [tilespmem:v7+s23+$0x0], $0xffff  }
0x1cf: {  	v58 =	vmul.f32 v29, v46;
	[tilespmem:s26+$0xFFFFFFA0] =	vst v4;
	v3 =	vadd.f32 v3, v9;
	v4 =	vld.idx.msk [tilespmem:v10+s23+$0x0], $0xffff  }
0x1d0: {  	v0 =	vadd.f32 v60, v0;
	v7 =	vmul.f32 v62, v45;
	v5 =	vld.idx.msk [tilespmem:v8+s22+$0x0], $0xffff  }
0x1d1: {  	v9 =	vmul.f32 v63, v47;
	v10 =	vadd.f32 v61, v58;
	[tilespmem:s26+$0xFFFFFFB0] =	vst v3;
	v3 =	vld.idx.msk [tilespmem:v11+s23+$0x0], $0xffff  }
0x1d2: {  	[tilespmem:s26+$0xFFFFFFC0] =	vst v0;
	v11 =	vld.idx.msk [tilespmem:v12+s23+$0x0], $0xffff;
	v0 =	vadd.f32 v1, v7;
	v1 =	vmul.f32 v16, v52  }
0x1d3: {  	v7 =	vld.idx.msk [tilespmem:v15+s23+$0x0], $0xffff;
	[tilespmem:s26+$0xFFFFFFD0] =	vst v10;
	v2 =	vadd.f32 v2, v9;
	v10 =	vmul.f32 v17, v51  }
0x1d4: {  	[tilespmem:s26+$0xFFFFFFE0] =	vst v0;
	v0 =	vld.idx.msk [tilespmem:v13+s23+$0x0], $0xffff;
	v9 =	vmul.f32 v18, v54;
	v1 =	vadd.f32 v6, v1  }
0x1d5: {  	[tilespmem:s26+$0xFFFFFFF0] =	vst v2;
	v6 =	vld.idx.msk [tilespmem:v8+s23+$0x0], $0xffff;
	v8 =	vmul.f32 v19, v55;
	v2 =	vadd.f32 v4, v10  }
0x1d6: {  	v4 =	vmul.f32 v21, v48;
	[tilespmem:s24+$0xFFFFFF90] =	vst v1;
	v1 =	vadd.f32 v3, v9  }
0x1d7: {  	v3 =	vmul.f32 v14, v49;
	[tilespmem:s24+$0xFFFFFFA0] =	vst v2;
	v2 =	vadd.f32 v11, v8  }
0x1d8: {  	v5 =	vmul.f32 v5, v50;
	[tilespmem:s24+$0xFFFFFFB0] =	vst v1;
	v1 =	vadd.f32 v7, v4  }
0x1d9: {  	[tilespmem:s24+$0xFFFFFFC0] =	vst v2;
	v0 =	vadd.f32 v0, v3  }
0x1da: {  	[tilespmem:s24+$0xFFFFFFD0] =	vst v1;
	v1 =	vadd.f32 v6, v5  }
0x1db: {  	[tilespmem:s24+$0xFFFFFFE0] =	vst v0  }
0x1dc: {  	s3 =	simm.s32 $0xA180;
	s26 =	simm.s32 $0x0;
	[tilespmem:s24+$0xFFFFFFF0] =	vst v1  }
0x1dd: {  	[hbm4b:s10+s26] =	stream.linear.scatter [tilespmem:s3], [sflag:$0x7], $0x2000, $0x38;
	[tilespmem:$0x10400] =	vst v63  }
0x1de: {  	_ =	swait.ge [sflag:s28], $0x2000  }
0x1df: {  	[sflag:s28] =	ssyncset.done $0x0  }
0x1e0: {  	s18 =	simm.s32 $0x0;
	[sflag:s28] =	ssyncadd.s32 $0xFFFFE000  }
0x1e1: {  	v7 =	vld [tilespmem:s18+$0x41F0]  }
0x1e2: {  	v5 =	vld [tilespmem:s18+$0x4180]  }
0x1e3: {  	v6 =	vld [tilespmem:s18+$0x4190]  }
0x1e4: {  	v3 =	vld [tilespmem:s18+$0x41A0]  }
0x1e5: {  	v4 =	vld [tilespmem:s18+$0x41B0]  }
0x1e6: {  	v2 =	vld [tilespmem:s18+$0x41C0]  }
0x1e7: {  	v1 =	vld [tilespmem:s18+$0x41D0]  }
0x1e8: {  	s24 =	simm.s32 $0x80;
	v0 =	vld [tilespmem:s18+$0x41E0]  }
0x1e9: {  	v43 =	vld [tilespmem:s24+$0x4180]  }
0x1ea: {  	v44 =	vld [tilespmem:s24+$0x4190]  }
0x1eb: {  	v42 =	vld [tilespmem:s24+$0x41A0];
	v8 =	vmul.f32 v7, v40  }
0x1ec: {  	v48 =	vld [tilespmem:s24+$0x41B0];
	v9 =	vmul.f32 v5, v40;
	v10 =	vmul.f32 v6, v40  }
0x1ed: {  	v47 =	vld [tilespmem:s24+$0x41C0];
	v11 =	vmul.f32 v3, v40;
	v12 =	vmul.f32 v4, v40  }
0x1ee: {  	v46 =	vld [tilespmem:s24+$0x41D0];
	v13 =	vmul.f32 v2, v40;
	v14 =	vmul.f32 v1, v40  }
0x1ef: {  	v45 =	vld [tilespmem:s24+$0x41E0];
	v15 =	vmul.f32 v0, v40;
	v18 =	vmul.f32 v43, v40  }
0x1f0: {  	v19 =	vmul.f32 v44, v40;
	v59 =	vmul.f32 v42, v40;
	v8 =	vadd.f32 v8, v41  }
0x1f1: {  	v60 =	vmul.f32 v48, v40;
	v9 =	vadd.f32 v9, v41;
	v10 =	vadd.f32 v10, v41  }
0x1f2: {  	v22 =	vmul.f32 v47, v40;
	v11 =	vadd.f32 v11, v41;
	v12 =	vadd.f32 v12, v41  }
0x1f3: {  	v23 =	vmul.f32 v46, v40;
	v13 =	vadd.f32 v13, v41;
	v14 =	vadd.f32 v14, v41  }
0x1f4: {  	v25 =	vmul.f32 v45, v40;
	v15 =	vadd.f32 v15, v41;
	v18 =	vadd.f32 v18, v41  }
0x1f5: {  	v19 =	vadd.f32 v19, v41;
	v8 =	vtrunc.f32 v8;
	v9 =	vtrunc.f32 v9  }
0x1f6: {  	v20 =	vadd.f32 v59, v41;
	v10 =	vtrunc.f32 v10;
	v11 =	vtrunc.f32 v11  }
0x1f7: {  	v21 =	vadd.f32 v60, v41;
	v12 =	vtrunc.f32 v12;
	v13 =	vtrunc.f32 v13  }
0x1f8: {  	v22 =	vadd.f32 v22, v41;
	v14 =	vtrunc.f32 v14;
	v15 =	vtrunc.f32 v15  }
0x1f9: {  	v23 =	vadd.f32 v23, v41;
	v18 =	vtrunc.f32 v18;
	v19 =	vtrunc.f32 v19  }
0x1fa: {  	v25 =	vadd.f32 v25, v41;
	v20 =	vtrunc.f32 v20;
	v21 =	vtrunc.f32 v21  }
0x1fb: {  	v22 =	vtrunc.f32 v22;
	v23 =	vtrunc.f32 v23  }
0x1fc: {  	v25 =	vtrunc.f32 v25;
	v8 =	vcvt.f32.s32 v8  }
0x1fd: {  	v9 =	vcvt.f32.s32 v9;
	v10 =	vcvt.f32.s32 v10  }
0x1fe: {  	v11 =	vcvt.f32.s32 v11;
	v12 =	vcvt.f32.s32 v12  }
0x1ff: {  	v13 =	vcvt.f32.s32 v13;
	v14 =	vcvt.f32.s32 v14;
	vm0 =	vgt.s32 v8, $0x0  }
0x200: {  	v15 =	vcvt.f32.s32 v15;
	v18 =	vcvt.f32.s32 v18;
	v8 =	vnsel vm0, $0x0, v8  }
0x201: {  	v19 =	vcvt.f32.s32 v19;
	v20 =	vcvt.f32.s32 v20;
	v8 =	vmin.u32 v8, $0xF  }
0x202: {  	v21 =	vcvt.f32.s32 v21;
	v22 =	vcvt.f32.s32 v22;
	v8 =	vadd.s32 v39, v8  }
0x203: {  	v23 =	vcvt.f32.s32 v23;
	v25 =	vcvt.f32.s32 v25  }
0x204: {  	vm15 =	vgt.s32 v9, $0x0;
	vm1 =	vgt.s32 v10, $0x0;
	vm2 =	vgt.s32 v11, $0x0  }
0x205: {  	vm3 =	vgt.s32 v12, $0x0;
	vm4 =	vgt.s32 v13, $0x0;
	vm5 =	vgt.s32 v14, $0x0  }
0x206: {  	v17 =	vld [tilespmem:s24+$0x41F0];
	vm8 =	vgt.s32 v15, $0x0;
	vm10 =	vgt.s32 v18, $0x0;
	vm11 =	vgt.s32 v19, $0x0  }
0x207: {  	s26 =	simm.s32 $0x100;
	vm12 =	vgt.s32 v20, $0x0;
	vm13 =	vgt.s32 v21, $0x0;
	vm14 =	vgt.s32 v22, $0x0;
	v16 =	vld.idx.msk [tilespmem:v8+s22+$0x0], $0xffff  }
0x208: {  	v54 =	vld [tilespmem:s26+$0x41F0];
	vm7 =	vgt.s32 v25, $0x0;
	v9 =	vnsel vm15, $0x0, v9;
	v10 =	vnsel vm1, $0x0, v10  }
0x209: {  	v53 =	vld [tilespmem:s26+$0x4180];
	v11 =	vnsel vm2, $0x0, v11;
	v12 =	vnsel vm3, $0x0, v12;
	v13 =	vnsel vm4, $0x0, v13  }
0x20a: {  	v55 =	vld [tilespmem:s26+$0x4190];
	v14 =	vnsel vm5, $0x0, v14;
	v15 =	vnsel vm8, $0x0, v15;
	v9 =	vmin.u32 v9, $0xF  }
0x20b: {  	v56 =	vld [tilespmem:s26+$0x41A0];
	v10 =	vmin.u32 v10, $0xF;
	v11 =	vmin.u32 v11, $0xF;
	v9 =	vadd.s32 v39, v9  }
0x20c: {  	v49 =	vld [tilespmem:s26+$0x41B0];
	v10 =	vadd.s32 v39, v10;
	v7 =	vmul.f32 v16, v7;
	v16 =	vmul.f32 v17, v40  }
0x20d: {  	v50 =	vld [tilespmem:s26+$0x41C0];
	vm15 =	vgt.s32 v23, $0x0;
	v14 =	vmin.u32 v14, $0xF;
	v11 =	vadd.s32 v39, v11  }
0x20e: {  	v12 =	vmin.u32 v12, $0xF;
	v14 =	vadd.s32 v39, v14;
	v8 =	vld.idx.msk [tilespmem:v8+s23+$0x0], $0xffff;
	v16 =	vadd.f32 v16, v41  }
0x20f: {  	v52 =	vld [tilespmem:s26+$0x41E0];
	v18 =	vnsel vm10, $0x0, v18;
	v13 =	vmin.u32 v13, $0xF;
	v12 =	vadd.s32 v39, v12  }
0x210: {  	v15 =	vmin.u32 v15, $0xF;
	v13 =	vadd.s32 v39, v13;
	v24 =	vld.idx.msk [tilespmem:v9+s22+$0x0], $0xffff;
	v16 =	vtrunc.f32 v16  }
0x211: {  	v19 =	vnsel vm11, $0x0, v19;
	v15 =	vadd.s32 v39, v15;
	v27 =	vld.idx.msk [tilespmem:v10+s22+$0x0], $0xffff;
	v16 =	vcvt.f32.s32 v16  }
0x212: {  	v20 =	vnsel vm12, $0x0, v20;
	v21 =	vnsel vm13, $0x0, v21;
	v22 =	vnsel vm14, $0x0, v22;
	v28 =	vld.idx.msk [tilespmem:v11+s22+$0x0], $0xffff  }
0x213: {  	v25 =	vnsel vm7, $0x0, v25;
	v8 =	vadd.f32 v8, v7;
	v7 =	vld.idx.msk [tilespmem:v14+s22+$0x0], $0xffff;
	vm9 =	vgt.s32 v16, $0x0  }
0x214: {  	v18 =	vmin.u32 v18, $0xF;
	v23 =	vnsel vm15, $0x0, v23;
	v29 =	vld.idx.msk [tilespmem:v12+s22+$0x0], $0xffff;
	v16 =	vnsel vm9, $0x0, v16  }
0x215: {  	v19 =	vmin.u32 v19, $0xF;
	v20 =	vmin.u32 v20, $0xF;
	v61 =	vld.idx.msk [tilespmem:v13+s22+$0x0], $0xffff;
	v16 =	vmin.u32 v16, $0xF  }
0x216: {  	v62 =	vld.idx.msk [tilespmem:v15+s22+$0x0], $0xffff;
	v5 =	vmul.f32 v24, v5;
	v24 =	vmul.f32 v54, v40;
	v16 =	vadd.s32 v39, v16  }
0x217: {  	v21 =	vmin.u32 v21, $0xF;
	v22 =	vmin.u32 v22, $0xF;
	v25 =	vmin.u32 v25, $0xF;
	v11 =	vld.idx.msk [tilespmem:v11+s23+$0x0], $0xffff  }
0x218: {  	v23 =	vmin.u32 v23, $0xF;
	v9 =	vld.idx.msk [tilespmem:v9+s23+$0x0], $0xffff;
	v1 =	vmul.f32 v7, v1;
	v7 =	vadd.f32 v24, v41  }
0x219: {  	v18 =	vadd.s32 v39, v18;
	v19 =	vadd.s32 v39, v19;
	v10 =	vld.idx.msk [tilespmem:v10+s23+$0x0], $0xffff;
	v6 =	vmul.f32 v27, v6  }
0x21a: {  	v20 =	vadd.s32 v39, v20;
	v12 =	vld.idx.msk [tilespmem:v12+s23+$0x0], $0xffff;
	v3 =	vmul.f32 v28, v3;
	v7 =	vtrunc.f32 v7  }
0x21b: {  	v21 =	vadd.s32 v39, v21;
	v4 =	vmul.f32 v29, v4;
	v7 =	vcvt.f32.s32 v7;
	v63 =	vld.idx.msk [tilespmem:v16+s22+$0x0], $0xffff  }
0x21c: {  	v57 =	vmul.f32 v62, v0;
	v14 =	vld.idx.msk [tilespmem:v14+s23+$0x0], $0xffff;
	v3 =	vadd.f32 v11, v3;
	v11 =	vmul.f32 v49, v40  }
0x21d: {  	v28 =	vmul.f32 v52, v40;
	v9 =	vadd.f32 v9, v5;
	vm8 =	vgt.s32 v7, $0x0;
	v16 =	vld.idx.msk [tilespmem:v16+s23+$0x0], $0xffff  }
0x21e: {  	v13 =	vld.idx.msk [tilespmem:v13+s23+$0x0], $0xffff;
	v10 =	vadd.f32 v10, v6;
	v11 =	vadd.f32 v11, v41;
	v7 =	vnsel vm8, $0x0, v7  }
0x21f: {  	v58 =	vld.idx.msk [tilespmem:v18+s22+$0x0], $0xffff;
	v6 =	vmul.f32 v55, v40;
	v12 =	vadd.f32 v12, v4;
	v4 =	vmin.u32 v7, $0xF  }
0x220: {  	v62 =	vld.idx.msk [tilespmem:v20+s22+$0x0], $0xffff;
	v11 =	vtrunc.f32 v11;
	v30 =	vadd.s32 v39, v4;
	v17 =	vmul.f32 v63, v17  }
0x221: {  	v5 =	vld.idx.msk [tilespmem:v15+s23+$0x0], $0xffff;
	v28 =	vadd.f32 v28, v41;
	[tilespmem:s18+$0xC1F0] =	vst v8;
	v8 =	vcvt.f32.s32 v11;
	v14 =	vadd.f32 v14, v1  }
0x222: {  	v51 =	vld [tilespmem:s26+$0x41D0];
	[tilespmem:s18+$0xC180] =	vst v9;
	v16 =	vadd.f32 v16, v17;
	v17 =	vadd.s32 v39, v22;
	v22 =	vadd.s32 v39, v23  }
0x223: {  	v7 =	vld.idx.msk [tilespmem:v18+s23+$0x0], $0xffff;
	v23 =	vadd.s32 v39, v25;
	v25 =	vmul.f32 v61, v2;
	v2 =	vmul.f32 v53, v40  }
0x224: {  	v6 =	vadd.f32 v6, v41;
	v28 =	vtrunc.f32 v28;
	[tilespmem:s18+$0xC190] =	vst v10;
	vm12 =	vgt.s32 v8, $0x0;
	v4 =	vld.idx.msk [tilespmem:v20+s23+$0x0], $0xffff  }
0x225: {  	[tilespmem:s18+$0xC1D0] =	vst v14;
	v20 =	vnsel vm12, $0x0, v8;
	v9 =	vld.idx.msk [tilespmem:v30+s22+$0x0], $0xffff;
	v0 =	vadd.f32 v2, v41;
	v2 =	vmul.f32 v56, v40  }
0x226: {  	v6 =	vtrunc.f32 v6;
	v14 =	vmin.u32 v20, $0xF;
	v10 =	vld.idx.msk [tilespmem:v30+s23+$0x0], $0xffff;
	[tilespmem:s24+$0xC1F0] =	vst v16;
	v16 =	vcvt.f32.s32 v28  }
0x227: {  	v61 =	vld.idx.msk [tilespmem:v19+s22+$0x0], $0xffff;
	v13 =	vadd.f32 v13, v25;
	v15 =	vadd.f32 v2, v41;
	v2 =	vmul.f32 v50, v40  }
0x228: {  	v24 =	vtrunc.f32 v0;
	v0 =	vmul.f32 v51, v40;
	vm15 =	vgt.s32 v16, $0x0;
	v63 =	vld.idx.msk [tilespmem:v22+s22+$0x0], $0xffff  }
0x229: {  	v29 =	vld.idx.msk [tilespmem:v23+s22+$0x0], $0xffff;
	v18 =	vcvt.f32.s32 v24;
	v24 =	vcvt.f32.s32 v6;
	v8 =	vnsel vm15, $0x0, v16  }
0x22a: {  	v6 =	vld.idx.msk [tilespmem:v19+s23+$0x0], $0xffff;
	v27 =	vadd.f32 v2, v41;
	v59 =	vadd.f32 v0, v41;
	v15 =	vtrunc.f32 v15  }
0x22b: {  	v60 =	vld.idx.msk [tilespmem:v17+s23+$0x0], $0xffff;
	v1 =	vcvt.f32.s32 v15;
	vm9 =	vgt.s32 v18, $0x0;
	vm10 =	vgt.s32 v24, $0x0  }
0x22c: {  	v0 =	vld.idx.msk [tilespmem:v17+s22+$0x0], $0xffff;
	v27 =	vtrunc.f32 v27;
	v25 =	vtrunc.f32 v59;
	v17 =	vnsel vm9, $0x0, v18  }
0x22d: {  	[tilespmem:s18+$0xC1A0] =	vst v3;
	v3 =	vld.idx.msk [tilespmem:v23+s23+$0x0], $0xffff;
	v18 =	vnsel vm10, $0x0, v24;
	v11 =	vcvt.f32.s32 v27;
	v15 =	vcvt.f32.s32 v25  }
0x22e: {  	[tilespmem:s18+$0xC1B0] =	vst v12;
	v2 =	vld.idx.msk [tilespmem:v21+s22+$0x0], $0xffff;
	vm11 =	vgt.s32 v1, $0x0;
	v12 =	vmin.u32 v17, $0xF;
	v16 =	vmin.u32 v18, $0xF  }
0x22f: {  	v59 =	vld.idx.msk [tilespmem:v21+s23+$0x0], $0xffff;
	v19 =	vnsel vm11, $0x0, v1;
	vm13 =	vgt.s32 v11, $0x0;
	vm14 =	vgt.s32 v15, $0x0  }
0x230: {  	s29 =	simm.s32 $0x4100;
	s31 =	simm.s32 $0x600;
	[tilespmem:s18+$0xC1C0] =	vst v13;
	v1 =	vld.idx.msk [tilespmem:v22+s23+$0x0], $0xffff;
	v11 =	vnsel vm13, $0x0, v11;
	v13 =	vnsel vm14, $0x0, v15;
	v15 =	vmin.u32 v19, $0xF  }
.LBB2_6:
0x231: {  	s3 =	sshra.s32 s31, $0x2;
	s29 =	sadd.s32 $0x80, s29;
	v11 =	vmin.u32 v11, $0xF;
	v13 =	vmin.u32 v13, $0xF;
	v9 =	vmul.f32 v9, v54  }
0x232: {  	v12 =	vadd.s32 v39, v12;
	v16 =	vadd.s32 v39, v16;
	v8 =	vmin.u32 v8, $0xF;
	v54 =	vld [tilespmem:s3+$0x41F0];
	p0 =	slt.u32 s29, $0x5F80  }
0x233: {  	v15 =	vadd.s32 v39, v15;
	v14 =	vadd.s32 v39, v14;
	v17 =	vld [tilespmem:s3+$0x4180];
	v9 =	vadd.f32 v10, v9  }
0x234: {  	v11 =	vadd.s32 v39, v11;
	v13 =	vadd.s32 v39, v13;
	v8 =	vadd.s32 v39, v8;
	v10 =	vld [tilespmem:s3+$0x4190]  }
0x235: {  	v19 =	vmul.f32 v61, v44;
	v5 =	vadd.f32 v5, v57;
	v18 =	vld [tilespmem:s3+$0x41A0];
	[tilespmem:s26+$0xC1F0] =	vst v9;
	v9 =	vmul.f32 v58, v43  }
0x236: {  	v21 =	vmul.f32 v62, v42;
	v22 =	vmul.f32 v2, v48;
	v44 =	vmovc v55;
	v42 =	vmovc v56;
	v43 =	vmov v53;
	v20 =	vld [tilespmem:s3+$0x41B0]  }
0x237: {  	v23 =	vld [tilespmem:s3+$0x41C0];
	v2 =	vmul.f32 v54, v40;
	v7 =	vadd.f32 v7, v9;
	v9 =	vmul.f32 v0, v47;
	[tilespmem:s18+$0xC1E0] =	vst v5;
	s18 =	smov.u32 s24;
	s24 =	smov.u32 s26;
	s26 =	smov.u32 s3  }
0x238: {  	v6 =	vadd.f32 v6, v19;
	v19 =	vmul.f32 v63, v46;
	v0 =	vmul.f32 v17, v40;
	v5 =	vld [tilespmem:s26+$0x41D0];
	v53 =	vmovc v17  }
0x239: {  	v57 =	vmul.f32 v29, v45;
	v17 =	vmul.f32 v10, v40;
	v24 =	vld [tilespmem:s26+$0x41E0];
	v2 =	vadd.f32 v2, v41;
	[tilespmem:s18+$0xC180] =	vst v7  }
0x23a: {  	v4 =	vadd.f32 v4, v21;
	v0 =	vadd.f32 v0, v41;
	v7 =	vmul.f32 v18, v40;
	v58 =	vld.idx.msk [tilespmem:v12+s22+$0x0], $0xffff  }
0x23b: {  	v17 =	vadd.f32 v17, v41;
	v21 =	vmul.f32 v20, v40;
	v2 =	vtrunc.f32 v2;
	v61 =	vld.idx.msk [tilespmem:v16+s22+$0x0], $0xffff;
	[tilespmem:s18+$0xC190] =	vst v6  }
0x23c: {  	v6 =	vadd.f32 v7, v41;
	v7 =	vmul.f32 v23, v40;
	v25 =	vcvt.f32.s32 v2;
	v62 =	vld.idx.msk [tilespmem:v15+s22+$0x0], $0xffff;
	[tilespmem:s18+$0xC1A0] =	vst v4  }
0x23d: {  	v55 =	vmovc v10;
	v4 =	vtrunc.f32 v0;
	v21 =	vadd.f32 v21, v41;
	v27 =	vmul.f32 v5, v40;
	v2 =	vld.idx.msk [tilespmem:v14+s22+$0x0], $0xffff  }
0x23e: {  	v56 =	vmovc v18;
	v7 =	vadd.f32 v7, v41;
	v10 =	vmul.f32 v24, v40;
	vm0 =	vgt.s32 v25, $0x0;
	v0 =	vld.idx.msk [tilespmem:v11+s22+$0x0], $0xffff  }
0x23f: {  	v48 =	vmovc v49;
	v49 =	vmovc v20;
	v17 =	vtrunc.f32 v17;
	v18 =	vadd.f32 v27, v41;
	v25 =	vnsel vm0, $0x0, v25;
	v63 =	vld.idx.msk [tilespmem:v13+s22+$0x0], $0xffff  }
0x240: {  	v47 =	vmovc v50;
	v50 =	vmovc v23;
	v20 =	vtrunc.f32 v6;
	v6 =	vadd.f32 v10, v41;
	v10 =	vmin.u32 v25, $0xF;
	v29 =	vld.idx.msk [tilespmem:v8+s22+$0x0], $0xffff  }
0x241: {  	v46 =	vmovc v51;
	v51 =	vmovc v5;
	v21 =	vtrunc.f32 v21;
	v23 =	vtrunc.f32 v7;
	v10 =	vadd.s32 v39, v10;
	v7 =	vld.idx.msk [tilespmem:v12+s23+$0x0], $0xffff  }
0x242: {  	v45 =	vmovc v52;
	v52 =	vmovc v24;
	v12 =	vtrunc.f32 v18;
	v18 =	vtrunc.f32 v6;
	v6 =	vld.idx.msk [tilespmem:v16+s23+$0x0], $0xffff;
	v16 =	vadd.f32 v59, v22  }
0x243: {  	v9 =	vadd.f32 v60, v9;
	v5 =	vmovc v3;
	v17 =	vcvt.f32.s32 v17;
	v22 =	vcvt.f32.s32 v4;
	v4 =	vld.idx.msk [tilespmem:v15+s23+$0x0], $0xffff  }
0x244: {  	v1 =	vadd.f32 v1, v19;
	v3 =	vcvt.f32.s32 v20;
	v15 =	vcvt.f32.s32 v21;
	v59 =	vld.idx.msk [tilespmem:v14+s23+$0x0], $0xffff;
	[tilespmem:s18+$0xC1B0] =	vst v16  }
0x245: {  	vm0 =	vgt.s32 v22, $0x0;
	v14 =	vcvt.f32.s32 v23;
	v16 =	vcvt.f32.s32 v12;
	v60 =	vld.idx.msk [tilespmem:v11+s23+$0x0], $0xffff;
	[tilespmem:s18+$0xC1C0] =	vst v9  }
0x246: {  	vm1 =	vgt.s32 v17, $0x0;
	vm2 =	vgt.s32 v3, $0x0;
	v18 =	vcvt.f32.s32 v18;
	v9 =	vld.idx.msk [tilespmem:v10+s22+$0x0], $0xffff;
	[tilespmem:s18+$0xC1D0] =	vst v1  }
.Ltmp2:
0x247: {  	vm3 =	vgt.s32 v15, $0x0;
	vm4 =	vgt.s32 v14, $0x0;
	vm5 =	vgt.s32 v16, $0x0;
	v1 =	vld.idx.msk [tilespmem:v13+s23+$0x0], $0xffff;
	(pc) =	sbr.rel @p0 .LBB2_6-.Ltmp2, $4  }
0x248: {  	v17 =	vnsel vm1, $0x0, v17;
	v12 =	vnsel vm0, $0x0, v22;
	vm0 =	vgt.s32 v18, $0x0;
	v10 =	vld.idx.msk [tilespmem:v10+s23+$0x0], $0xffff  }
0x249: {  	v19 =	vnsel vm2, $0x0, v3;
	v20 =	vnsel vm3, $0x0, v15;
	v11 =	vnsel vm4, $0x0, v14;
	v3 =	vld.idx.msk [tilespmem:v8+s23+$0x0], $0xffff  }
0x24a: {  	v12 =	vmin.u32 v12, $0xF;
	v13 =	vnsel vm5, $0x0, v16;
	v8 =	vnsel vm0, $0x0, v18  }
0x24b: {  	s31 =	sadd.s32 $0x200, s31;
	v15 =	vmin.u32 v19, $0xF;
	v16 =	vmin.u32 v17, $0xF;
	v14 =	vmin.u32 v20, $0xF  }
0x24c: {  	v12 =	vadd.s32 v39, v12  }
0x24d: {  	v16 =	vadd.s32 v39, v16  }
0x24e: {  	v15 =	vadd.s32 v39, v15  }
0x24f: {  	v14 =	vadd.s32 v39, v14;
	_ =	sdelay $0x1  }
0x250: {  	v11 =	vmin.u32 v11, $0xF;
	v21 =	vmul.f32 v61, v44;
	v5 =	vadd.f32 v5, v57;
	v17 =	vld.idx.msk [tilespmem:v12+s22+$0x0], $0xffff  }
0x251: {  	v9 =	vmul.f32 v9, v54;
	v11 =	vadd.s32 v39, v11;
	v18 =	vld.idx.msk [tilespmem:v16+s22+$0x0], $0xffff  }
0x252: {  	v13 =	vmin.u32 v13, $0xF;
	v8 =	vmin.u32 v8, $0xF;
	[tilespmem:s18+$0xC1E0] =	vst v5;
	v5 =	vadd.f32 v6, v21;
	v19 =	vld.idx.msk [tilespmem:v15+s22+$0x0], $0xffff  }
0x253: {  	v13 =	vadd.s32 v39, v13;
	v9 =	vadd.f32 v10, v9;
	v10 =	vmul.f32 v58, v43;
	v20 =	vld.idx.msk [tilespmem:v14+s22+$0x0], $0xffff  }
0x254: {  	v8 =	vadd.s32 v39, v8;
	[tilespmem:s24+$0xC190] =	vst v5;
	v5 =	vld.idx.msk [tilespmem:v16+s23+$0x0], $0xffff  }
0x255: {  	[tilespmem:s26+$0xC1F0] =	vst v9;
	v9 =	vmul.f32 v62, v42;
	v7 =	vadd.f32 v7, v10;
	v14 =	vld.idx.msk [tilespmem:v14+s23+$0x0], $0xffff  }
0x256: {  	v2 =	vmul.f32 v2, v48;
	v22 =	vld.idx.msk [tilespmem:v11+s22+$0x0], $0xffff  }
0x257: {  	v0 =	vmul.f32 v0, v47;
	[tilespmem:s24+$0xC180] =	vst v7;
	v4 =	vadd.f32 v4, v9;
	v7 =	vld.idx.msk [tilespmem:v12+s23+$0x0], $0xffff  }
0x258: {  	v2 =	vadd.f32 v59, v2;
	v10 =	vld.idx.msk [tilespmem:v13+s22+$0x0], $0xffff;
	v9 =	vmul.f32 v63, v46  }
0x259: {  	v0 =	vadd.f32 v60, v0;
	v12 =	vmul.f32 v29, v45;
	[tilespmem:s24+$0xC1A0] =	vst v4;
	v4 =	vld.idx.msk [tilespmem:v15+s23+$0x0], $0xffff  }
0x25a: {  	[tilespmem:s24+$0xC1B0] =	vst v2;
	v6 =	vld.idx.msk [tilespmem:v8+s22+$0x0], $0xffff;
	v1 =	vadd.f32 v1, v9;
	v2 =	vmul.f32 v17, v53  }
0x25b: {  	[tilespmem:s24+$0xC1C0] =	vst v0;
	v9 =	vld.idx.msk [tilespmem:v11+s23+$0x0], $0xffff;
	v3 =	vadd.f32 v3, v12;
	v0 =	vmul.f32 v18, v55  }
0x25c: {  	[tilespmem:s24+$0xC1D0] =	vst v1;
	v1 =	vld.idx.msk [tilespmem:v13+s23+$0x0], $0xffff;
	v11 =	vmul.f32 v19, v56;
	v2 =	vadd.f32 v7, v2  }
0x25d: {  	[tilespmem:s24+$0xC1E0] =	vst v3;
	v7 =	vld.idx.msk [tilespmem:v8+s23+$0x0], $0xffff;
	v8 =	vmul.f32 v20, v49;
	v0 =	vadd.f32 v5, v0  }
0x25e: {  	v3 =	vmul.f32 v22, v50;
	[tilespmem:s26+$0xC180] =	vst v2;
	v2 =	vadd.f32 v4, v11  }
0x25f: {  	v4 =	vmul.f32 v10, v51;
	[tilespmem:s26+$0xC190] =	vst v0;
	v0 =	vadd.f32 v14, v8  }
0x260: {  	v5 =	vmul.f32 v6, v52;
	[tilespmem:s26+$0xC1A0] =	vst v2;
	v2 =	vadd.f32 v9, v3  }
0x261: {  	[tilespmem:s26+$0xC1B0] =	vst v0;
	v0 =	vadd.f32 v1, v4  }
0x262: {  	v1 =	vadd.f32 v7, v5;
	[tilespmem:s26+$0xC1C0] =	vst v2  }
0x263: {  	[tilespmem:s26+$0xC1D0] =	vst v0  }
0x264: {  	s3 =	simm.s32 $0x0;
	[tilespmem:s26+$0xC1E0] =	vst v1;
	s26 =	simm.s32 $0xC180  }
0x265: {  	[hbm4b:s11+s3] =	stream.linear.scatter [tilespmem:s26], [sflag:$0x8], $0x2000, $0x38;
	[tilespmem:$0x10400] =	vst v63  }
0x266: {  	_ =	swait.ge [sflag:s30], $0x2000  }
0x267: {  	[sflag:s30] =	ssyncset.done $0x0  }
0x268: {  	s18 =	simm.s32 $0x0;
	[sflag:s30] =	ssyncadd.s32 $0xFFFFE000  }
0x269: {  	v7 =	vld [tilespmem:s18+$0x61F0]  }
0x26a: {  	v5 =	vld [tilespmem:s18+$0x6180]  }
0x26b: {  	v6 =	vld [tilespmem:s18+$0x6190]  }
0x26c: {  	v3 =	vld [tilespmem:s18+$0x61A0]  }
0x26d: {  	v4 =	vld [tilespmem:s18+$0x61B0]  }
0x26e: {  	v2 =	vld [tilespmem:s18+$0x61C0]  }
0x26f: {  	v1 =	vld [tilespmem:s18+$0x61D0]  }
0x270: {  	s24 =	simm.s32 $0x80;
	v0 =	vld [tilespmem:s18+$0x61E0]  }
0x271: {  	v43 =	vld [tilespmem:s24+$0x6180]  }
0x272: {  	v44 =	vld [tilespmem:s24+$0x6190]  }
0x273: {  	v42 =	vld [tilespmem:s24+$0x61A0];
	v8 =	vmul.f32 v7, v40  }
0x274: {  	v48 =	vld [tilespmem:s24+$0x61B0];
	v9 =	vmul.f32 v5, v40;
	v10 =	vmul.f32 v6, v40  }
0x275: {  	v47 =	vld [tilespmem:s24+$0x61C0];
	v11 =	vmul.f32 v3, v40;
	v12 =	vmul.f32 v4, v40  }
0x276: {  	v46 =	vld [tilespmem:s24+$0x61D0];
	v13 =	vmul.f32 v2, v40;
	v14 =	vmul.f32 v1, v40  }
0x277: {  	v45 =	vld [tilespmem:s24+$0x61E0];
	v15 =	vmul.f32 v0, v40;
	v18 =	vmul.f32 v43, v40  }
0x278: {  	v19 =	vmul.f32 v44, v40;
	v59 =	vmul.f32 v42, v40;
	v8 =	vadd.f32 v8, v41  }
0x279: {  	v60 =	vmul.f32 v48, v40;
	v9 =	vadd.f32 v9, v41;
	v10 =	vadd.f32 v10, v41  }
0x27a: {  	v61 =	vmul.f32 v47, v40;
	v11 =	vadd.f32 v11, v41;
	v12 =	vadd.f32 v12, v41  }
0x27b: {  	v23 =	vmul.f32 v46, v40;
	v13 =	vadd.f32 v13, v41;
	v14 =	vadd.f32 v14, v41  }
0x27c: {  	v25 =	vmul.f32 v45, v40;
	v15 =	vadd.f32 v15, v41;
	v18 =	vadd.f32 v18, v41  }
0x27d: {  	v19 =	vadd.f32 v19, v41;
	v8 =	vtrunc.f32 v8;
	v9 =	vtrunc.f32 v9  }
0x27e: {  	v20 =	vadd.f32 v59, v41;
	v10 =	vtrunc.f32 v10;
	v11 =	vtrunc.f32 v11  }
0x27f: {  	v21 =	vadd.f32 v60, v41;
	v12 =	vtrunc.f32 v12;
	v13 =	vtrunc.f32 v13  }
0x280: {  	v22 =	vadd.f32 v61, v41;
	v14 =	vtrunc.f32 v14;
	v15 =	vtrunc.f32 v15  }
0x281: {  	v23 =	vadd.f32 v23, v41;
	v18 =	vtrunc.f32 v18;
	v8 =	vcvt.f32.s32 v8  }
0x282: {  	v25 =	vadd.f32 v25, v41;
	v19 =	vtrunc.f32 v19;
	v20 =	vtrunc.f32 v20  }
0x283: {  	v21 =	vtrunc.f32 v21;
	v22 =	vtrunc.f32 v22;
	vm0 =	vgt.s32 v8, $0x0  }
0x284: {  	v23 =	vtrunc.f32 v23;
	v25 =	vtrunc.f32 v25;
	v8 =	vnsel vm0, $0x0, v8  }
0x285: {  	v9 =	vcvt.f32.s32 v9;
	v10 =	vcvt.f32.s32 v10;
	v8 =	vmin.u32 v8, $0xF  }
0x286: {  	v11 =	vcvt.f32.s32 v11;
	v12 =	vcvt.f32.s32 v12;
	v8 =	vadd.s32 v39, v8  }
0x287: {  	v13 =	vcvt.f32.s32 v13;
	v14 =	vcvt.f32.s32 v14  }
0x288: {  	v15 =	vcvt.f32.s32 v15;
	v18 =	vcvt.f32.s32 v18  }
0x289: {  	v19 =	vcvt.f32.s32 v19;
	v20 =	vcvt.f32.s32 v20  }
0x28a: {  	v17 =	vld [tilespmem:s24+$0x61F0];
	v21 =	vcvt.f32.s32 v21;
	v22 =	vcvt.f32.s32 v22  }
0x28b: {  	v23 =	vcvt.f32.s32 v23;
	v25 =	vcvt.f32.s32 v25;
	v16 =	vld.idx.msk [tilespmem:v8+s22+$0x0], $0xffff  }
0x28c: {  	vm15 =	vgt.s32 v9, $0x0;
	vm1 =	vgt.s32 v10, $0x0;
	vm2 =	vgt.s32 v11, $0x0  }
0x28d: {  	vm3 =	vgt.s32 v12, $0x0;
	vm4 =	vgt.s32 v13, $0x0;
	vm5 =	vgt.s32 v14, $0x0  }
0x28e: {  	vm8 =	vgt.s32 v15, $0x0;
	vm10 =	vgt.s32 v18, $0x0;
	vm11 =	vgt.s32 v19, $0x0  }
0x28f: {  	s26 =	simm.s32 $0x100;
	vm12 =	vgt.s32 v20, $0x0;
	vm13 =	vgt.s32 v21, $0x0;
	v9 =	vnsel vm15, $0x0, v9  }
0x290: {  	v54 =	vld [tilespmem:s26+$0x61F0];
	v10 =	vnsel vm1, $0x0, v10;
	v7 =	vmul.f32 v16, v7;
	v16 =	vmul.f32 v17, v40  }
0x291: {  	v53 =	vld [tilespmem:s26+$0x6180];
	v11 =	vnsel vm2, $0x0, v11;
	v12 =	vnsel vm3, $0x0, v12;
	v9 =	vmin.u32 v9, $0xF  }
0x292: {  	v55 =	vld [tilespmem:s26+$0x6190];
	v10 =	vmin.u32 v10, $0xF;
	v9 =	vadd.s32 v39, v9;
	v16 =	vadd.f32 v16, v41  }
0x293: {  	v56 =	vld [tilespmem:s26+$0x61A0];
	v15 =	vnsel vm8, $0x0, v15;
	v11 =	vmin.u32 v11, $0xF;
	v10 =	vadd.s32 v39, v10  }
0x294: {  	v49 =	vld [tilespmem:s26+$0x61B0];
	v12 =	vmin.u32 v12, $0xF;
	v11 =	vadd.s32 v39, v11;
	v16 =	vtrunc.f32 v16  }
0x295: {  	v52 =	vld [tilespmem:s26+$0x61E0];
	v15 =	vmin.u32 v15, $0xF;
	v12 =	vadd.s32 v39, v12;
	v16 =	vcvt.f32.s32 v16  }
0x296: {  	vm14 =	vgt.s32 v22, $0x0;
	vm7 =	vgt.s32 v25, $0x0;
	v15 =	vadd.s32 v39, v15;
	v8 =	vld.idx.msk [tilespmem:v8+s23+$0x0], $0xffff  }
0x297: {  	v13 =	vnsel vm4, $0x0, v13;
	v14 =	vnsel vm5, $0x0, v14;
	v24 =	vld.idx.msk [tilespmem:v9+s22+$0x0], $0xffff;
	vm9 =	vgt.s32 v16, $0x0  }
0x298: {  	vm15 =	vgt.s32 v23, $0x0;
	v18 =	vnsel vm10, $0x0, v18;
	v27 =	vld.idx.msk [tilespmem:v10+s22+$0x0], $0xffff;
	v16 =	vnsel vm9, $0x0, v16  }
0x299: {  	v19 =	vnsel vm11, $0x0, v19;
	v20 =	vnsel vm12, $0x0, v20;
	v28 =	vld.idx.msk [tilespmem:v11+s22+$0x0], $0xffff;
	v16 =	vmin.u32 v16, $0xF  }
0x29a: {  	v21 =	vnsel vm13, $0x0, v21;
	v14 =	vmin.u32 v14, $0xF;
	v29 =	vld.idx.msk [tilespmem:v12+s22+$0x0], $0xffff;
	v16 =	vadd.s32 v39, v16  }
0x29b: {  	v22 =	vnsel vm14, $0x0, v22;
	v25 =	vnsel vm7, $0x0, v25;
	v14 =	vadd.s32 v39, v14;
	v62 =	vld.idx.msk [tilespmem:v15+s22+$0x0], $0xffff  }
0x29c: {  	v13 =	vmin.u32 v13, $0xF;
	v18 =	vmin.u32 v18, $0xF;
	v23 =	vnsel vm15, $0x0, v23;
	v9 =	vld.idx.msk [tilespmem:v9+s23+$0x0], $0xffff  }
0x29d: {  	v19 =	vmin.u32 v19, $0xF;
	v20 =	vmin.u32 v20, $0xF;
	v13 =	vadd.s32 v39, v13;
	v10 =	vld.idx.msk [tilespmem:v10+s23+$0x0], $0xffff  }
0x29e: {  	v21 =	vmin.u32 v21, $0xF;
	v22 =	vmin.u32 v22, $0xF;
	v25 =	vmin.u32 v25, $0xF;
	v11 =	vld.idx.msk [tilespmem:v11+s23+$0x0], $0xffff  }
0x29f: {  	v23 =	vmin.u32 v23, $0xF;
	v18 =	vadd.s32 v39, v18;
	v19 =	vadd.s32 v39, v19;
	v63 =	vld.idx.msk [tilespmem:v16+s22+$0x0], $0xffff  }
0x2a0: {  	v5 =	vmul.f32 v24, v5;
	v6 =	vmul.f32 v27, v6;
	v8 =	vadd.f32 v8, v7;
	v7 =	vld.idx.msk [tilespmem:v14+s22+$0x0], $0xffff  }
0x2a1: {  	v20 =	vadd.s32 v39, v20;
	v3 =	vmul.f32 v28, v3;
	v4 =	vmul.f32 v29, v4;
	v16 =	vld.idx.msk [tilespmem:v16+s23+$0x0], $0xffff  }
0x2a2: {  	v21 =	vadd.s32 v39, v21;
	v30 =	vld.idx.msk [tilespmem:v13+s22+$0x0], $0xffff;
	v24 =	vmul.f32 v54, v40;
	v57 =	vmul.f32 v62, v0  }
0x2a3: {  	v50 =	vld [tilespmem:s26+$0x61C0];
	v28 =	vmul.f32 v52, v40;
	v9 =	vadd.f32 v9, v5;
	v10 =	vadd.f32 v10, v6  }
0x2a4: {  	v12 =	vld.idx.msk [tilespmem:v12+s23+$0x0], $0xffff;
	v6 =	vmul.f32 v55, v40;
	v3 =	vadd.f32 v11, v3;
	v17 =	vmul.f32 v63, v17  }
0x2a5: {  	v51 =	vld [tilespmem:s26+$0x61D0];
	v11 =	vmul.f32 v49, v40;
	v1 =	vmul.f32 v7, v1;
	v7 =	vadd.f32 v24, v41  }
0x2a6: {  	v13 =	vld.idx.msk [tilespmem:v13+s23+$0x0], $0xffff;
	v16 =	vadd.f32 v16, v17;
	v17 =	vadd.s32 v39, v22;
	v22 =	vadd.s32 v39, v23  }
0x2a7: {  	v58 =	vld.idx.msk [tilespmem:v18+s22+$0x0], $0xffff;
	v23 =	vadd.s32 v39, v25;
	v25 =	vmul.f32 v30, v2;
	v2 =	vmul.f32 v53, v40  }
0x2a8: {  	v61 =	vld.idx.msk [tilespmem:v19+s22+$0x0], $0xffff;
	v28 =	vadd.f32 v28, v41;
	v6 =	vadd.f32 v6, v41;
	v7 =	vtrunc.f32 v7  }
0x2a9: {  	v59 =	vld.idx.msk [tilespmem:v21+s23+$0x0], $0xffff;
	v12 =	vadd.f32 v12, v4;
	v7 =	vcvt.f32.s32 v7;
	v0 =	vadd.f32 v2, v41  }
0x2aa: {  	v62 =	vld.idx.msk [tilespmem:v20+s22+$0x0], $0xffff;
	v11 =	vadd.f32 v11, v41;
	v28 =	vtrunc.f32 v28;
	v6 =	vtrunc.f32 v6  }
0x2ab: {  	v14 =	vld.idx.msk [tilespmem:v14+s23+$0x0], $0xffff;
	vm8 =	vgt.s32 v7, $0x0;
	v24 =	vtrunc.f32 v0;
	v0 =	vmul.f32 v51, v40  }
0x2ac: {  	v5 =	vld.idx.msk [tilespmem:v15+s23+$0x0], $0xffff;
	v11 =	vtrunc.f32 v11;
	v7 =	vnsel vm8, $0x0, v7;
	v2 =	vmul.f32 v56, v40  }
0x2ad: {  	[tilespmem:s18+$0xE1F0] =	vst v8;
	v8 =	vcvt.f32.s32 v11;
	v4 =	vmin.u32 v7, $0xF;
	v7 =	vld.idx.msk [tilespmem:v18+s23+$0x0], $0xffff;
	v30 =	vadd.f32 v0, v41  }
0x2ae: {  	v13 =	vadd.f32 v13, v25;
	[tilespmem:s24+$0xE1F0] =	vst v16;
	v16 =	vcvt.f32.s32 v28;
	v15 =	vadd.f32 v2, v41;
	v63 =	vld.idx.msk [tilespmem:v22+s22+$0x0], $0xffff  }
0x2af: {  	v2 =	vmul.f32 v50, v40;
	v29 =	vld.idx.msk [tilespmem:v23+s22+$0x0], $0xffff;
	v25 =	vtrunc.f32 v30;
	v30 =	vadd.s32 v39, v4  }
0x2b0: {  	v14 =	vadd.f32 v14, v1;
	v18 =	vcvt.f32.s32 v24;
	v24 =	vcvt.f32.s32 v6;
	v6 =	vld.idx.msk [tilespmem:v19+s23+$0x0], $0xffff  }
0x2b1: {  	vm12 =	vgt.s32 v8, $0x0;
	v60 =	vld.idx.msk [tilespmem:v17+s23+$0x0], $0xffff;
	v27 =	vadd.f32 v2, v41;
	v15 =	vtrunc.f32 v15  }
0x2b2: {  	[tilespmem:s18+$0xE180] =	vst v9;
	vm15 =	vgt.s32 v16, $0x0;
	v0 =	vld.idx.msk [tilespmem:v17+s22+$0x0], $0xffff;
	v1 =	vcvt.f32.s32 v15;
	vm9 =	vgt.s32 v18, $0x0  }
0x2b3: {  	[tilespmem:s18+$0xE190] =	vst v10;
	vm10 =	vgt.s32 v24, $0x0;
	v27 =	vtrunc.f32 v27;
	v4 =	vld.idx.msk [tilespmem:v20+s23+$0x0], $0xffff;
	v17 =	vnsel vm9, $0x0, v18  }
0x2b4: {  	[tilespmem:s18+$0xE1A0] =	vst v3;
	v18 =	vnsel vm10, $0x0, v24;
	v20 =	vnsel vm12, $0x0, v8;
	v8 =	vnsel vm15, $0x0, v16;
	v9 =	vld.idx.msk [tilespmem:v30+s22+$0x0], $0xffff  }
0x2b5: {  	[tilespmem:s18+$0xE1B0] =	vst v12;
	v3 =	vld.idx.msk [tilespmem:v23+s23+$0x0], $0xffff;
	v11 =	vcvt.f32.s32 v27;
	v15 =	vcvt.f32.s32 v25;
	vm11 =	vgt.s32 v1, $0x0  }
0x2b6: {  	[tilespmem:s18+$0xE1D0] =	vst v14;
	v12 =	vmin.u32 v17, $0xF;
	v16 =	vmin.u32 v18, $0xF;
	v14 =	vmin.u32 v20, $0xF;
	v10 =	vld.idx.msk [tilespmem:v30+s23+$0x0], $0xffff  }
0x2b7: {  	v2 =	vld.idx.msk [tilespmem:v21+s22+$0x0], $0xffff;
	v19 =	vnsel vm11, $0x0, v1;
	vm13 =	vgt.s32 v11, $0x0;
	vm14 =	vgt.s32 v15, $0x0  }
0x2b8: {  	s29 =	simm.s32 $0x6100;
	s31 =	simm.s32 $0x600;
	[tilespmem:s18+$0xE1C0] =	vst v13;
	v1 =	vld.idx.msk [tilespmem:v22+s23+$0x0], $0xffff;
	v11 =	vnsel vm13, $0x0, v11;
	v13 =	vnsel vm14, $0x0, v15;
	v15 =	vmin.u32 v19, $0xF  }
.LBB2_8:
0x2b9: {  	s3 =	sshra.s32 s31, $0x2;
	s29 =	sadd.s32 $0x80, s29;
	v11 =	vmin.u32 v11, $0xF;
	v13 =	vmin.u32 v13, $0xF;
	v9 =	vmul.f32 v9, v54  }
0x2ba: {  	v12 =	vadd.s32 v39, v12;
	v16 =	vadd.s32 v39, v16;
	v8 =	vmin.u32 v8, $0xF;
	v54 =	vld [tilespmem:s3+$0x61F0];
	p0 =	slt.u32 s29, $0x7F80  }
0x2bb: {  	v15 =	vadd.s32 v39, v15;
	v14 =	vadd.s32 v39, v14;
	v17 =	vld [tilespmem:s3+$0x6180];
	v9 =	vadd.f32 v10, v9  }
0x2bc: {  	v11 =	vadd.s32 v39, v11;
	v13 =	vadd.s32 v39, v13;
	v8 =	vadd.s32 v39, v8;
	v10 =	vld [tilespmem:s3+$0x6190]  }
0x2bd: {  	v19 =	vmul.f32 v61, v44;
	v5 =	vadd.f32 v5, v57;
	v18 =	vld [tilespmem:s3+$0x61A0];
	[tilespmem:s26+$0xE1F0] =	vst v9;
	v9 =	vmul.f32 v58, v43  }
0x2be: {  	v21 =	vmul.f32 v62, v42;
	v22 =	vmul.f32 v2, v48;
	v44 =	vmovc v55;
	v42 =	vmovc v56;
	v43 =	vmov v53;
	v20 =	vld [tilespmem:s3+$0x61B0]  }
0x2bf: {  	v23 =	vld [tilespmem:s3+$0x61C0];
	v2 =	vmul.f32 v54, v40;
	v7 =	vadd.f32 v7, v9;
	v9 =	vmul.f32 v0, v47;
	[tilespmem:s18+$0xE1E0] =	vst v5;
	s18 =	smov.u32 s24;
	s24 =	smov.u32 s26;
	s26 =	smov.u32 s3  }
0x2c0: {  	v6 =	vadd.f32 v6, v19;
	v19 =	vmul.f32 v63, v46;
	v0 =	vmul.f32 v17, v40;
	v5 =	vld [tilespmem:s26+$0x61D0];
	v53 =	vmovc v17  }
0x2c1: {  	v57 =	vmul.f32 v29, v45;
	v17 =	vmul.f32 v10, v40;
	v24 =	vld [tilespmem:s26+$0x61E0];
	v2 =	vadd.f32 v2, v41;
	[tilespmem:s18+$0xE180] =	vst v7  }
0x2c2: {  	v4 =	vadd.f32 v4, v21;
	v0 =	vadd.f32 v0, v41;
	v7 =	vmul.f32 v18, v40;
	v58 =	vld.idx.msk [tilespmem:v12+s22+$0x0], $0xffff  }
0x2c3: {  	v17 =	vadd.f32 v17, v41;
	v21 =	vmul.f32 v20, v40;
	v2 =	vtrunc.f32 v2;
	v61 =	vld.idx.msk [tilespmem:v16+s22+$0x0], $0xffff;
	[tilespmem:s18+$0xE190] =	vst v6  }
0x2c4: {  	v6 =	vadd.f32 v7, v41;
	v7 =	vmul.f32 v23, v40;
	v25 =	vcvt.f32.s32 v2;
	v62 =	vld.idx.msk [tilespmem:v15+s22+$0x0], $0xffff;
	[tilespmem:s18+$0xE1A0] =	vst v4  }
0x2c5: {  	v55 =	vmovc v10;
	v4 =	vtrunc.f32 v0;
	v21 =	vadd.f32 v21, v41;
	v27 =	vmul.f32 v5, v40;
	v2 =	vld.idx.msk [tilespmem:v14+s22+$0x0], $0xffff  }
0x2c6: {  	v56 =	vmovc v18;
	v7 =	vadd.f32 v7, v41;
	v10 =	vmul.f32 v24, v40;
	vm0 =	vgt.s32 v25, $0x0;
	v0 =	vld.idx.msk [tilespmem:v11+s22+$0x0], $0xffff  }
0x2c7: {  	v48 =	vmovc v49;
	v49 =	vmovc v20;
	v17 =	vtrunc.f32 v17;
	v18 =	vadd.f32 v27, v41;
	v25 =	vnsel vm0, $0x0, v25;
	v63 =	vld.idx.msk [tilespmem:v13+s22+$0x0], $0xffff  }
0x2c8: {  	v47 =	vmovc v50;
	v50 =	vmovc v23;
	v20 =	vtrunc.f32 v6;
	v6 =	vadd.f32 v10, v41;
	v10 =	vmin.u32 v25, $0xF;
	v29 =	vld.idx.msk [tilespmem:v8+s22+$0x0], $0xffff  }
0x2c9: {  	v46 =	vmovc v51;
	v51 =	vmovc v5;
	v21 =	vtrunc.f32 v21;
	v23 =	vtrunc.f32 v7;
	v10 =	vadd.s32 v39, v10;
	v7 =	vld.idx.msk [tilespmem:v12+s23+$0x0], $0xffff  }
0x2ca: {  	v45 =	vmovc v52;
	v52 =	vmovc v24;
	v12 =	vtrunc.f32 v18;
	v18 =	vtrunc.f32 v6;
	v6 =	vld.idx.msk [tilespmem:v16+s23+$0x0], $0xffff;
	v16 =	vadd.f32 v59, v22  }
0x2cb: {  	v9 =	vadd.f32 v60, v9;
	v5 =	vmovc v3;
	v17 =	vcvt.f32.s32 v17;
	v22 =	vcvt.f32.s32 v4;
	v4 =	vld.idx.msk [tilespmem:v15+s23+$0x0], $0xffff  }
0x2cc: {  	v1 =	vadd.f32 v1, v19;
	v3 =	vcvt.f32.s32 v20;
	v15 =	vcvt.f32.s32 v21;
	v59 =	vld.idx.msk [tilespmem:v14+s23+$0x0], $0xffff;
	[tilespmem:s18+$0xE1B0] =	vst v16  }
0x2cd: {  	vm0 =	vgt.s32 v22, $0x0;
	v14 =	vcvt.f32.s32 v23;
	v16 =	vcvt.f32.s32 v12;
	v60 =	vld.idx.msk [tilespmem:v11+s23+$0x0], $0xffff;
	[tilespmem:s18+$0xE1C0] =	vst v9  }
0x2ce: {  	vm1 =	vgt.s32 v17, $0x0;
	vm2 =	vgt.s32 v3, $0x0;
	v18 =	vcvt.f32.s32 v18;
	v9 =	vld.idx.msk [tilespmem:v10+s22+$0x0], $0xffff;
	[tilespmem:s18+$0xE1D0] =	vst v1  }
.Ltmp3:
0x2cf: {  	vm3 =	vgt.s32 v15, $0x0;
	vm4 =	vgt.s32 v14, $0x0;
	vm5 =	vgt.s32 v16, $0x0;
	v1 =	vld.idx.msk [tilespmem:v13+s23+$0x0], $0xffff;
	(pc) =	sbr.rel @p0 .LBB2_8-.Ltmp3, $4  }
0x2d0: {  	v17 =	vnsel vm1, $0x0, v17;
	v12 =	vnsel vm0, $0x0, v22;
	vm0 =	vgt.s32 v18, $0x0;
	v10 =	vld.idx.msk [tilespmem:v10+s23+$0x0], $0xffff  }
0x2d1: {  	v19 =	vnsel vm2, $0x0, v3;
	v20 =	vnsel vm3, $0x0, v15;
	v11 =	vnsel vm4, $0x0, v14;
	v3 =	vld.idx.msk [tilespmem:v8+s23+$0x0], $0xffff  }
0x2d2: {  	v12 =	vmin.u32 v12, $0xF;
	v13 =	vnsel vm5, $0x0, v16;
	v8 =	vnsel vm0, $0x0, v18  }
0x2d3: {  	s31 =	sadd.s32 $0x200, s31;
	v15 =	vmin.u32 v19, $0xF;
	v16 =	vmin.u32 v17, $0xF;
	v14 =	vmin.u32 v20, $0xF  }
0x2d4: {  	v12 =	vadd.s32 v39, v12  }
0x2d5: {  	v16 =	vadd.s32 v39, v16  }
0x2d6: {  	v15 =	vadd.s32 v39, v15  }
0x2d7: {  	v14 =	vadd.s32 v39, v14;
	_ =	sdelay $0x1  }
0x2d8: {  	v17 =	vld.idx.msk [tilespmem:v12+s22+$0x0], $0xffff  }
0x2d9: {  	v11 =	vmin.u32 v11, $0xF;
	v13 =	vmin.u32 v13, $0xF;
	v18 =	vld.idx.msk [tilespmem:v16+s22+$0x0], $0xffff  }
0x2da: {  	v8 =	vmin.u32 v8, $0xF;
	v9 =	vmul.f32 v9, v54;
	v58 =	vmul.f32 v58, v43;
	v19 =	vld.idx.msk [tilespmem:v15+s22+$0x0], $0xffff  }
0x2db: {  	v21 =	vmul.f32 v61, v44;
	v5 =	vadd.f32 v5, v57;
	v11 =	vadd.s32 v39, v11;
	v20 =	vld.idx.msk [tilespmem:v14+s22+$0x0], $0xffff  }
0x2dc: {  	v61 =	vmul.f32 v62, v42;
	v13 =	vadd.s32 v39, v13;
	v9 =	vadd.f32 v10, v9;
	v40 =	vld.idx.msk [tilespmem:v12+s23+$0x0], $0xffff  }
0x2dd: {  	v8 =	vadd.s32 v39, v8;
	v7 =	vadd.f32 v7, v58;
	[tilespmem:s18+$0xE1E0] =	vst v5;
	v42 =	vld.idx.msk [tilespmem:v16+s23+$0x0], $0xffff  }
0x2de: {  	v2 =	vmul.f32 v2, v48;
	v21 =	vadd.f32 v6, v21;
	[tilespmem:s26+$0xE1F0] =	vst v9;
	v44 =	vld.idx.msk [tilespmem:v15+s23+$0x0], $0xffff  }
0x2df: {  	v0 =	vmul.f32 v0, v47;
	v4 =	vadd.f32 v4, v61;
	[tilespmem:s24+$0xE180] =	vst v7;
	v14 =	vld.idx.msk [tilespmem:v14+s23+$0x0], $0xffff  }
0x2e0: {  	v41 =	vmul.f32 v63, v46;
	v2 =	vadd.f32 v59, v2;
	[tilespmem:s24+$0xE190] =	vst v21;
	v22 =	vld.idx.msk [tilespmem:v11+s22+$0x0], $0xffff  }
0x2e1: {  	v43 =	vmul.f32 v29, v45;
	v0 =	vadd.f32 v60, v0;
	[tilespmem:s24+$0xE1A0] =	vst v4;
	v62 =	vld.idx.msk [tilespmem:v13+s22+$0x0], $0xffff  }
0x2e2: {  	v1 =	vadd.f32 v1, v41;
	[tilespmem:s24+$0xE1B0] =	vst v2;
	v23 =	vld.idx.msk [tilespmem:v8+s22+$0x0], $0xffff;
	v45 =	vmul.f32 v17, v53  }
0x2e3: {  	v3 =	vadd.f32 v3, v43;
	[tilespmem:s24+$0xE1C0] =	vst v0;
	v46 =	vld.idx.msk [tilespmem:v11+s23+$0x0], $0xffff;
	v47 =	vmul.f32 v18, v55  }
0x2e4: {  	[tilespmem:s24+$0xE1D0] =	vst v1;
	v48 =	vld.idx.msk [tilespmem:v13+s23+$0x0], $0xffff;
	v53 =	vmul.f32 v19, v56;
	v2 =	vadd.f32 v40, v45  }
0x2e5: {  	[tilespmem:s24+$0xE1E0] =	vst v3;
	v54 =	vld.idx.msk [tilespmem:v8+s23+$0x0], $0xffff;
	v55 =	vmul.f32 v20, v49;
	v0 =	vadd.f32 v42, v47  }
0x2e6: {  	v56 =	vmul.f32 v22, v50;
	v57 =	vadd.f32 v44, v53;
	[tilespmem:s26+$0xE180] =	vst v2  }
0x2e7: {  	v58 =	vmul.f32 v62, v51;
	v59 =	vadd.f32 v14, v55;
	[tilespmem:s26+$0xE190] =	vst v0  }
0x2e8: {  	v60 =	vmul.f32 v23, v52;
	v61 =	vadd.f32 v46, v56;
	[tilespmem:s26+$0xE1A0] =	vst v57  }
0x2e9: {  	v62 =	vadd.f32 v48, v58;
	[tilespmem:s26+$0xE1B0] =	vst v59  }
0x2ea: {  	v63 =	vadd.f32 v54, v60;
	[tilespmem:s26+$0xE1C0] =	vst v61  }
0x2eb: {  	[tilespmem:s26+$0xE1D0] =	vst v62  }
0x2ec: {  	s3 =	simm.s32 $0xE180;
	[tilespmem:s26+$0xE1E0] =	vst v63  }
0x2ed: {  	[hbm4b:s12+s1] =	stream.linear.scatter [tilespmem:s3], [sflag:$0x9], $0x2000, $0x38;
	[tilespmem:$0x10400] =	vst v63  }
0x2ee: {  	_ =	swait.ge [sflag:s0], $0x2000  }
0x2ef: {  	[sflag:s0] =	ssyncset.done $0x0  }
0x2f0: {  	[sflag:s0] =	ssyncadd.s32 $0xFFFFE000  }
0x2f1: {  	_ =	swait.ge [sflag:s2], $0x2000  }
0x2f2: {  	[sflag:s2] =	ssyncset.done $0x0  }
0x2f3: {  	s17 =	sadd.s32 $0x1, s17;
	[sflag:s2] =	ssyncadd.s32 $0xFFFFE000  }
0x2f4: {  	p0 =	sne.s32 s17, s13;
	_ =	swait.ge [sflag:s15], $0x2000  }
.Ltmp4:
0x2f5: {  	[sflag:s15] =	ssyncset.done $0x0;
	(pc) =	sbr.rel @p0 .LBB2_1-.Ltmp4, $4  }
0x2f6: {  	[sflag:s15] =	ssyncadd.s32 $0xFFFFE000  }
0x2f7: {  	_ =	swait.ge [sflag:s16], $0x2000  }
0x2f8: {  	[sflag:s16] =	ssyncset.done $0x0  }
0x2f9: {  	[sflag:s16] =	ssyncadd.s32 $0xFFFFE000  }
0x2fa: {  	_ =	sfence.sel $0x180000  }
0x2fb: {  	[bflag:$0x0] =	sbarrier.arrive $0xFFFF  }
0x2fc: {  	_ =	strace $0x90000047  }
0x2fd: {  	s0 =	stileid.u32;
	[bflag:$0x2] =	sbarrier.arrive $0xFFFF  }
0x2fe: {  	p0 =	sne.s32 s0, $0x0;
	s0 =	rddreg [dreg:$0x2]  }
0x2ff: {  	s0 =	sadd.s32 @!p0 $0x100000, s0  }
0x300: {  	[sflag:s0] =	ssyncadd.tile.s32 @!p0 $0x1;
	_ =	shalt  }
.Lfunc_end2:
_tile_overlayer_lowered:
.L_overlay_start_2:
0x301: {  	(tag) =	ssettag $0x2  }
0x302: {  	s0 =	rddreg [dreg:$0x0];
	s2 =	stileid.u32  }
0x303: {  	s1 =	rddreg [dreg:$0x1];
	p0 =	sne.s32 s2, $0x0  }
0x304: {  	s3 =	rddreg [dreg:$0x2];
	[bflag:$0x3] =	sbarrier.arrive $0xFFFF;
	s2 =	simm.s32 @!p0 $0x1C0A  }
0x305: {  	[timem:s3], [sflag:s2] =	dma.local @!p0 [hbm:s0], s1  }
0x306: {  	s0 =	simm.s32 @!p0 $0xA  }
0x307: {  	_ =	swait.ge @!p0 [sflag:s0], s1  }
0x308: {  	s1 =	ssub.s32 @!p0 $0x0, s1;
	[sflag:s0] =	ssyncset.done @!p0 $0x0  }
0x309: {  	[sflag:s0] =	ssyncadd.s32 @!p0 s1  }
0x30a: {  	[bflag:$0x3] =	sbarrier.arrive $0xFFFF  }
0x30b: {  	_ =	shalt  }

</sc_bundles>
